<compile_context>
chip_gen: v7x
topology: tpu7x:2x2x1
jax: 0.10.2.dev20260603
libtpu: 0.0.44.dev20260713+nightly
codegen_flags: <defaults>
</compile_context>

<pallas_src>
import functools

import jax
import jax.numpy as jnp
from jax import lax
from jax.experimental import pallas as pl
from jax.experimental.pallas import tpu as pltpu
from jax.experimental.pallas import tpu_sc as plsc

NUM_BUCKETS = 32
NUM_HEADS = 12
Q_LEN = 2048
K_LEN = 2048
TAB_W = 4096
N_SHIFT = 8
H_PAD = 16


def _bucket_i32(rel):
    sign = jnp.where(rel > 0, 16, 0)
    d = jnp.abs(rel)
    dd = jnp.maximum(d, 1)
    bits = lax.bitcast_convert_type(dd.astype(jnp.float32), jnp.int32)
    e = (bits >> 23) - 127
    m2 = 2 * e + jnp.where(dd * dd >= (jnp.int32(1) << (2 * e + 1)), 1, 0)
    large = jnp.minimum(m2 + 2, 15)
    return jnp.where(d < 8, d, large) + sign


def _table_body(embt_ref, sh_ref):
    for t in range(N_SHIFT):
        rel = (lax.broadcasted_iota(jnp.int32, (1, TAB_W), 1)
               - t - (Q_LEN - N_SHIFT))
        bucket = _bucket_i32(rel)
        onehot = (lax.broadcasted_iota(jnp.int32, (NUM_BUCKETS, TAB_W), 0)
                  == bucket).astype(jnp.float32)
        sh_ref[:, t, :] = jnp.dot(embt_ref[...], onehot,
                                  preferred_element_type=jnp.float32,
                                  precision=lax.Precision.HIGHEST)


_table_call = pl.pallas_call(
    _table_body,
    out_shape=jax.ShapeDtypeStruct((H_PAD, N_SHIFT, TAB_W), jnp.float32),
)


_NW = 32
_NQB = Q_LEN // N_SHIFT
_JOBS = NUM_HEADS * _NQB
_JPW = _JOBS // _NW
_GRP = 8
def _bcast_body(sh_hbm, out_hbm, tab_v, sem):
    wid = lax.axis_index("s") * 2 + lax.axis_index("c")
    base = wid * _JPW
    h_lo = base // _NQB
    pltpu.sync_copy(sh_hbm.at[pl.ds(h_lo, 2)], tab_v)

    def group(g, carry):
        handles = []
        for t in range(_GRP):
            flat = base + g * _GRP + t
            h = flat // _NQB
            q0 = (flat - h * _NQB) * N_SHIFT
            astart = pl.multiple_of((Q_LEN - N_SHIFT) - q0, 8)
            handles.append(pltpu.async_copy(
                tab_v.at[h - h_lo, :, pl.ds(astart, K_LEN)],
                out_hbm.at[0, h, pl.ds(q0, N_SHIFT), :],
                sem,
            ))
        for hd in handles:
            hd.wait()
        return carry

    lax.fori_loop(0, _JPW // _GRP, group, 0)


@functools.cache
def _get_bcast():
    mesh = plsc.VectorSubcoreMesh(core_axis_name="c", subcore_axis_name="s")
    return pl.kernel(
        _bcast_body,
        out_type=jax.ShapeDtypeStruct((1, NUM_HEADS, Q_LEN, K_LEN), jnp.float32),
        mesh=mesh,
        scratch_types=[
            pltpu.VMEM((2, N_SHIFT, TAB_W), jnp.float32),
            pltpu.SemaphoreType.DMA,
        ],
        compiler_params=pltpu.CompilerParams(use_tc_tiling_on_sc=False),
    )


def kernel(query_length, key_length, embedding):
    embt = jnp.zeros((H_PAD, NUM_BUCKETS), jnp.float32).at[:NUM_HEADS].set(
        embedding.T)
    sh = _table_call(embt)
    return _get_bcast()(sh)

# --- scband reference (transcript-rebuilt; emitter-appended) ---
"""Pipeline reference for scband-relative-position-bias-11562051961170 (READ-ONLY COPY).

The authoritative reference and input builder live on the scoring server;
editing this copy changes nothing except your own understanding.
"""

import math
import jax, jax.numpy as jnp
import numpy as np

NUM_BUCKETS = 32
MAX_DISTANCE = 128
NUM_HEADS = 12

QUERY_LENGTH = 2048
KEY_LENGTH = 2048


def _relative_position_bucket(relative_position):
    half_buckets = NUM_BUCKETS // 2
    sign_bucket = (relative_position > 0).astype(jnp.int32) * half_buckets
    distance = jnp.abs(relative_position)
    max_exact = half_buckets // 2
    is_small = distance < max_exact
    clipped_distance = jnp.clip(distance, 1)
    log_ratio = jnp.log(clipped_distance.astype(jnp.float32) / max_exact) / math.log(MAX_DISTANCE / max_exact)
    large_position = max_exact + (log_ratio * (half_buckets - max_exact)).astype(jnp.int32)
    large_position = jnp.minimum(large_position, half_buckets - 1)
    bucket = jnp.where(is_small, distance, large_position)
    return bucket + sign_bucket


def setup_inputs(seed: int = 0) -> dict:
    key = jax.random.key(seed)
    embedding = jax.random.normal(key, (NUM_BUCKETS, NUM_HEADS), dtype=jnp.float32)
    return {"query_length": QUERY_LENGTH, "key_length": KEY_LENGTH, "embedding": embedding}


def reference(query_length, key_length, embedding):
    context_position = jnp.arange(QUERY_LENGTH)[:, None]
    memory_position = jnp.arange(KEY_LENGTH)[None, :]
    length_zero = (query_length - query_length) + (key_length - key_length)
    relative_position = memory_position - context_position + length_zero
    bucket = _relative_position_bucket(relative_position)
    values = jnp.take(embedding, bucket, axis=0)
    return jnp.transpose(values, (2, 0, 1))[None, ...]

if __name__ == "__main__":
    import jax
    _d = setup_inputs()
    print(jax.jit(kernel)(*tuple(_d.values())))

</pallas_src>

<mosaic_0001>
#map = affine_map<(d0, d1) -> (0, 0, 0)>
#map1 = affine_map<(d0, d1) -> (0, 0, 0, 0)>
module attributes {stable_mosaic.version = 14 : i64} {
  func.func @_bcast_body(%arg0: i32, %arg1: i32, %arg2: memref<16x8x4096xf32, #tpu.memory_space<hbm>>, %arg3: memref<1x12x2048x2048xf32, #tpu.memory_space<hbm>>, %arg4: memref<2x8x4096xf32, #tpu.memory_space<vmem>>, %arg5: memref<!tpu.dma_semaphore, #tpu.memory_space<semaphore_mem>>) attributes {dimension_semantics = [#tpu.dimension_semantics<core_parallel>, #tpu.dimension_semantics<subcore_parallel>], iteration_bounds = array<i64: 2, 16>, scalar_prefetch = 0 : i64, scratch_operands = 2 : i64, tpu.core_type = #tpu.core_type<sc_vector_subcore>, window_params = [{transform_indices = #map}, {transform_indices = #map1}]} {
    %mul3A = arith.constant 2 : i32
    %mul3A_0 = arith.muli %arg1, %mul3A : i32
    %add3A = arith.addi %mul3A_0, %arg0 : i32
    %mul3A_1 = arith.constant 96 : i32
    %mul3A_2 = arith.muli %add3A, %mul3A_1 : i32
    %jit3A = arith.constant 256 : i32
    %div3A = arith.divsi %mul3A_2, %jit3A : i32
    %sign3A = arith.constant 0 : i32
    %sign3A_3 = arith.cmpi sgt, %mul3A_2, %sign3A : i32
    %sign3A_4 = arith.extui %sign3A_3 : i1 to i32
    %sign3A_5 = arith.constant 0 : i32
    %sign3A_6 = arith.cmpi slt, %mul3A_2, %sign3A_5 : i32
    %sign3A_7 = arith.extui %sign3A_6 : i1 to i32
    %sign3A_8 = arith.subi %sign3A_4, %sign3A_7 : i32
    %sign3A_9 = arith.constant 0 : i32
    %sign3A_10 = arith.cmpi sgt, %jit3A, %sign3A_9 : i32
    %sign3A_11 = arith.extui %sign3A_10 : i1 to i32
    %sign3A_12 = arith.constant 0 : i32
    %sign3A_13 = arith.cmpi slt, %jit3A, %sign3A_12 : i32
    %sign3A_14 = arith.extui %sign3A_13 : i1 to i32
    %sign3A_15 = arith.subi %sign3A_11, %sign3A_14 : i32
    %ne3A = arith.cmpi ne, %sign3A_8, %sign3A_15 : i32
    %rem3A = arith.remsi %mul3A_2, %jit3A : i32
    %ne3A_16 = arith.constant 0 : i32
    %ne3A_17 = arith.cmpi ne, %rem3A, %ne3A_16 : i32
    %and3A = arith.andi %ne3A, %ne3A_17 : i1
    %sub3A = arith.constant 1 : i32
    %sub3A_18 = arith.subi %div3A, %sub3A : i32
    %select_n3A = arith.select %and3A, %sub3A_18, %div3A : i32
    "tpu.region"() ({
      %run_scoped3A = tpu.sem_alloc : memref<!tpu.dma_semaphore, #tpu.memory_space<semaphore_mem>>
      %dma_start3A = arith.constant 0 : i32
      %dma_start3A_24 = arith.constant 0 : i32
      %dma_start3A_25 = tpu.memref_slice %arg2[%select_n3A, %dma_start3A, %dma_start3A_24] : memref<16x8x4096xf32, #tpu.memory_space<hbm>> -> memref<2x8x4096xf32, #tpu.memory_space<hbm>>
      %dma_start3A_26 = arith.constant 0 : i32
      %dma_start3A_27 = arith.constant 0 : i32
      %dma_start3A_28 = tpu.memref_slice %arg2[%select_n3A, %dma_start3A_26, %dma_start3A_27] : memref<16x8x4096xf32, #tpu.memory_space<hbm>> -> memref<2x8x4096xf32, #tpu.memory_space<hbm>>
      tpu.enqueue_dma source(%dma_start3A_28 : memref<2x8x4096xf32, #tpu.memory_space<hbm>>) target(%arg4 : memref<2x8x4096xf32, #tpu.memory_space<vmem>>) target_semaphore(%run_scoped3A : memref<!tpu.dma_semaphore, #tpu.memory_space<semaphore_mem>>)
      %dma_wait3A = arith.constant 0 : i32
      %dma_wait3A_29 = arith.constant 0 : i32
      %dma_wait3A_30 = tpu.memref_slice %arg2[%select_n3A, %dma_wait3A, %dma_wait3A_29] : memref<16x8x4096xf32, #tpu.memory_space<hbm>> -> memref<2x8x4096xf32, #tpu.memory_space<hbm>>
      %dma_wait3A_31 = arith.constant 0 : i32
      %dma_wait3A_32 = arith.constant 0 : i32
      %dma_wait3A_33 = tpu.memref_slice %arg2[%select_n3A, %dma_wait3A_31, %dma_wait3A_32] : memref<16x8x4096xf32, #tpu.memory_space<hbm>> -> memref<2x8x4096xf32, #tpu.memory_space<hbm>>
      tpu.wait_dma2 semaphore(%run_scoped3A : memref<!tpu.dma_semaphore, #tpu.memory_space<semaphore_mem>>) src(%dma_wait3A_33 : memref<2x8x4096xf32, #tpu.memory_space<hbm>>) dst(%arg4 : memref<2x8x4096xf32, #tpu.memory_space<vmem>>)
      tpu.yield
    }) : () -> ()
    %scan3A = arith.constant 0 : i32
    %scan3A_19 = arith.constant 0 : i32
    %scan3A_20 = arith.constant 12 : i32
    %scan3A_21 = arith.addi %scan3A_19, %scan3A_20 : i32
    %scan3A_22 = arith.constant 1 : i32
    scf.for %scan3A_24 = %scan3A_19 to %scan3A_21 step %scan3A_22  : i32 {
      %mul3A_25 = arith.constant 8 : i32
      %mul3A_26 = arith.muli %scan3A_24, %mul3A_25 : i32
      %add3A_27 = arith.addi %mul3A_2, %mul3A_26 : i32
      %add3A_28 = arith.constant 0 : i32
      %add3A_29 = arith.addi %add3A_27, %add3A_28 : i32
      %jit3A_30 = arith.constant 256 : i32
      %div3A_31 = arith.divsi %add3A_29, %jit3A_30 : i32
      %sign3A_32 = arith.constant 0 : i32
      %sign3A_33 = arith.cmpi sgt, %add3A_29, %sign3A_32 : i32
      %sign3A_34 = arith.extui %sign3A_33 : i1 to i32
      %sign3A_35 = arith.constant 0 : i32
      %sign3A_36 = arith.cmpi slt, %add3A_29, %sign3A_35 : i32
      %sign3A_37 = arith.extui %sign3A_36 : i1 to i32
      %sign3A_38 = arith.subi %sign3A_34, %sign3A_37 : i32
      %sign3A_39 = arith.constant 0 : i32
      %sign3A_40 = arith.cmpi sgt, %jit3A_30, %sign3A_39 : i32
      %sign3A_41 = arith.extui %sign3A_40 : i1 to i32
      %sign3A_42 = arith.constant 0 : i32
      %sign3A_43 = arith.cmpi slt, %jit3A_30, %sign3A_42 : i32
      %sign3A_44 = arith.extui %sign3A_43 : i1 to i32
      %sign3A_45 = arith.subi %sign3A_41, %sign3A_44 : i32
      %ne3A_46 = arith.cmpi ne, %sign3A_38, %sign3A_45 : i32
      %rem3A_47 = arith.remsi %add3A_29, %jit3A_30 : i32
      %ne3A_48 = arith.constant 0 : i32
      %ne3A_49 = arith.cmpi ne, %rem3A_47, %ne3A_48 : i32
      %and3A_50 = arith.andi %ne3A_46, %ne3A_49 : i1
      %sub3A_51 = arith.constant 1 : i32
      %sub3A_52 = arith.subi %div3A_31, %sub3A_51 : i32
      %select_n3A_53 = arith.select %and3A_50, %sub3A_52, %div3A_31 : i32
      %mul3A_54 = arith.constant 256 : i32
      %mul3A_55 = arith.muli %select_n3A_53, %mul3A_54 : i32
      %sub3A_56 = arith.subi %add3A_29, %mul3A_55 : i32
      %mul3A_57 = arith.constant 8 : i32
      %mul3A_58 = arith.muli %sub3A_56, %mul3A_57 : i32
      %sub3A_59 = arith.constant 2040 : i32
      %sub3A_60 = arith.subi %sub3A_59, %mul3A_58 : i32
      %multiple_of3A = tpu.assume_multiple %sub3A_60, 8 : i32
      %sub3A_61 = arith.subi %select_n3A_53, %select_n3A : i32
      %dma_start3A = arith.constant 0 : i32
      %dma_start3A_62 = arith.constant 0 : i32
      %dma_start3A_63 = tpu.memref_slice %arg4[%sub3A_61, %dma_start3A_62, %multiple_of3A] : memref<2x8x4096xf32, #tpu.memory_space<vmem>> -> memref<1x8x2048xf32, #tpu.memory_space<vmem>>
      %dma_start3A_64 = tpu.memref_squeeze %dma_start3A_63 : memref<1x8x2048xf32, #tpu.memory_space<vmem>> -> memref<8x2048xf32, #tpu.memory_space<vmem>>
      %dma_start3A_65 = arith.constant 0 : i32
      %dma_start3A_66 = tpu.memref_slice %arg3[%dma_start3A, %select_n3A_53, %mul3A_58, %dma_start3A_65] : memref<1x12x2048x2048xf32, #tpu.memory_space<hbm>> -> memref<1x1x8x2048xf32, #tpu.memory_space<hbm>>
      %dma_start3A_67 = tpu.memref_squeeze %dma_start3A_66 : memref<1x1x8x2048xf32, #tpu.memory_space<hbm>> -> memref<8x2048xf32, #tpu.memory_space<hbm>>
      %dma_start3A_68 = arith.constant 0 : i32
      %dma_start3A_69 = tpu.memref_slice %arg3[%dma_start3A, %select_n3A_53, %mul3A_58, %dma_start3A_68] : memref<1x12x2048x2048xf32, #tpu.memory_space<hbm>> -> memref<1x1x8x2048xf32, #tpu.memory_space<hbm>>
      %dma_start3A_70 = tpu.memref_squeeze %dma_start3A_69 : memref<1x1x8x2048xf32, #tpu.memory_space<hbm>> -> memref<8x2048xf32, #tpu.memory_space<hbm>>
      %dma_start3A_71 = arith.constant 0 : i32
      %dma_start3A_72 = tpu.memref_slice %arg4[%sub3A_61, %dma_start3A_71, %multiple_of3A] : memref<2x8x4096xf32, #tpu.memory_space<vmem>> -> memref<1x8x2048xf32, #tpu.memory_space<vmem>>
      %dma_start3A_73 = tpu.memref_squeeze %dma_start3A_72 : memref<1x8x2048xf32, #tpu.memory_space<vmem>> -> memref<8x2048xf32, #tpu.memory_space<vmem>>
      tpu.enqueue_dma source(%dma_start3A_73 : memref<8x2048xf32, #tpu.memory_space<vmem>>) target(%dma_start3A_70 : memref<8x2048xf32, #tpu.memory_space<hbm>>) target_semaphore(%arg5 : memref<!tpu.dma_semaphore, #tpu.memory_space<semaphore_mem>>)
      %mul3A_74 = arith.constant 8 : i32
      %mul3A_75 = arith.muli %scan3A_24, %mul3A_74 : i32
      %add3A_76 = arith.addi %mul3A_2, %mul3A_75 : i32
      %add3A_77 = arith.constant 1 : i32
      %add3A_78 = arith.addi %add3A_76, %add3A_77 : i32
      %jit3A_79 = arith.constant 256 : i32
      %div3A_80 = arith.divsi %add3A_78, %jit3A_79 : i32
      %sign3A_81 = arith.constant 0 : i32
      %sign3A_82 = arith.cmpi sgt, %add3A_78, %sign3A_81 : i32
      %sign3A_83 = arith.extui %sign3A_82 : i1 to i32
      %sign3A_84 = arith.constant 0 : i32
      %sign3A_85 = arith.cmpi slt, %add3A_78, %sign3A_84 : i32
      %sign3A_86 = arith.extui %sign3A_85 : i1 to i32
      %sign3A_87 = arith.subi %sign3A_83, %sign3A_86 : i32
      %sign3A_88 = arith.constant 0 : i32
      %sign3A_89 = arith.cmpi sgt, %jit3A_79, %sign3A_88 : i32
      %sign3A_90 = arith.extui %sign3A_89 : i1 to i32
      %sign3A_91 = arith.constant 0 : i32
      %sign3A_92 = arith.cmpi slt, %jit3A_79, %sign3A_91 : i32
      %sign3A_93 = arith.extui %sign3A_92 : i1 to i32
      %sign3A_94 = arith.subi %sign3A_90, %sign3A_93 : i32
      %ne3A_95 = arith.cmpi ne, %sign3A_87, %sign3A_94 : i32
      %rem3A_96 = arith.remsi %add3A_78, %jit3A_79 : i32
      %ne3A_97 = arith.constant 0 : i32
      %ne3A_98 = arith.cmpi ne, %rem3A_96, %ne3A_97 : i32
      %and3A_99 = arith.andi %ne3A_95, %ne3A_98 : i1
      %sub3A_100 = arith.constant 1 : i32
      %sub3A_101 = arith.subi %div3A_80, %sub3A_100 : i32
      %select_n3A_102 = arith.select %and3A_99, %sub3A_101, %div3A_80 : i32
      %mul3A_103 = arith.constant 256 : i32
      %mul3A_104 = arith.muli %select_n3A_102, %mul3A_103 : i32
      %sub3A_105 = arith.subi %add3A_78, %mul3A_104 : i32
      %mul3A_106 = arith.constant 8 : i32
      %mul3A_107 = arith.muli %sub3A_105, %mul3A_106 : i32
      %sub3A_108 = arith.constant 2040 : i32
      %sub3A_109 = arith.subi %sub3A_108, %mul3A_107 : i32
      %multiple_of3A_110 = tpu.assume_multiple %sub3A_109, 8 : i32
      %sub3A_111 = arith.subi %select_n3A_102, %select_n3A : i32
      %dma_start3A_112 = arith.constant 0 : i32
      %dma_start3A_113 = arith.constant 0 : i32
      %dma_start3A_114 = tpu.memref_slice %arg4[%sub3A_111, %dma_start3A_113, %multiple_of3A_110] : memref<2x8x4096xf32, #tpu.memory_space<vmem>> -> memref<1x8x2048xf32, #tpu.memory_space<vmem>>
      %dma_start3A_115 = tpu.memref_squeeze %dma_start3A_114 : memref<1x8x2048xf32, #tpu.memory_space<vmem>> -> memref<8x2048xf32, #tpu.memory_space<vmem>>
      %dma_start3A_116 = arith.constant 0 : i32
      %dma_start3A_117 = tpu.memref_slice %arg3[%dma_start3A_112, %select_n3A_102, %mul3A_107, %dma_start3A_116] : memref<1x12x2048x2048xf32, #tpu.memory_space<hbm>> -> memref<1x1x8x2048xf32, #tpu.memory_space<hbm>>
      %dma_start3A_118 = tpu.memref_squeeze %dma_start3A_117 : memref<1x1x8x2048xf32, #tpu.memory_space<hbm>> -> memref<8x2048xf32, #tpu.memory_space<hbm>>
      %dma_start3A_119 = arith.constant 0 : i32
      %dma_start3A_120 = tpu.memref_slice %arg3[%dma_start3A_112, %select_n3A_102, %mul3A_107, %dma_start3A_119] : memref<1x12x2048x2048xf32, #tpu.memory_space<hbm>> -> memref<1x1x8x2048xf32, #tpu.memory_space<hbm>>
      %dma_start3A_121 = tpu.memref_squeeze %dma_start3A_120 : memref<1x1x8x2048xf32, #tpu.memory_space<hbm>> -> memref<8x2048xf32, #tpu.memory_space<hbm>>
      %dma_start3A_122 = arith.constant 0 : i32
      %dma_start3A_123 = tpu.memref_slice %arg4[%sub3A_111, %dma_start3A_122, %multiple_of3A_110] : memref<2x8x4096xf32, #tpu.memory_space<vmem>> -> memref<1x8x2048xf32, #tpu.memory_space<vmem>>
      %dma_start3A_124 = tpu.memref_squeeze %dma_start3A_123 : memref<1x8x2048xf32, #tpu.memory_space<vmem>> -> memref<8x2048xf32, #tpu.memory_space<vmem>>
      tpu.enqueue_dma source(%dma_start3A_124 : memref<8x2048xf32, #tpu.memory_space<vmem>>) target(%dma_start3A_121 : memref<8x2048xf32, #tpu.memory_space<hbm>>) target_semaphore(%arg5 : memref<!tpu.dma_semaphore, #tpu.memory_space<semaphore_mem>>)
      %mul3A_125 = arith.constant 8 : i32
      %mul3A_126 = arith.muli %scan3A_24, %mul3A_125 : i32
      %add3A_127 = arith.addi %mul3A_2, %mul3A_126 : i32
      %add3A_128 = arith.constant 2 : i32
      %add3A_129 = arith.addi %add3A_127, %add3A_128 : i32
      %jit3A_130 = arith.constant 256 : i32
      %div3A_131 = arith.divsi %add3A_129, %jit3A_130 : i32
      %sign3A_132 = arith.constant 0 : i32
      %sign3A_133 = arith.cmpi sgt, %add3A_129, %sign3A_132 : i32
      %sign3A_134 = arith.extui %sign3A_133 : i1 to i32
      %sign3A_135 = arith.constant 0 : i32
      %sign3A_136 = arith.cmpi slt, %add3A_129, %sign3A_135 : i32
      %sign3A_137 = arith.extui %sign3A_136 : i1 to i32
      %sign3A_138 = arith.subi %sign3A_134, %sign3A_137 : i32
      %sign3A_139 = arith.constant 0 : i32
      %sign3A_140 = arith.cmpi sgt, %jit3A_130, %sign3A_139 : i32
      %sign3A_141 = arith.extui %sign3A_140 : i1 to i32
      %sign3A_142 = arith.constant 0 : i32
      %sign3A_143 = arith.cmpi slt, %jit3A_130, %sign3A_142 : i32
      %sign3A_144 = arith.extui %sign3A_143 : i1 to i32
      %sign3A_145 = arith.subi %sign3A_141, %sign3A_144 : i32
      %ne3A_146 = arith.cmpi ne, %sign3A_138, %sign3A_145 : i32
      %rem3A_147 = arith.remsi %add3A_129, %jit3A_130 : i32
      %ne3A_148 = arith.constant 0 : i32
      %ne3A_149 = arith.cmpi ne, %rem3A_147, %ne3A_148 : i32
      %and3A_150 = arith.andi %ne3A_146, %ne3A_149 : i1
      %sub3A_151 = arith.constant 1 : i32
      %sub3A_152 = arith.subi %div3A_131, %sub3A_151 : i32
      %select_n3A_153 = arith.select %and3A_150, %sub3A_152, %div3A_131 : i32
      %mul3A_154 = arith.constant 256 : i32
      %mul3A_155 = arith.muli %select_n3A_153, %mul3A_154 : i32
      %sub3A_156 = arith.subi %add3A_129, %mul3A_155 : i32
      %mul3A_157 = arith.constant 8 : i32
      %mul3A_158 = arith.muli %sub3A_156, %mul3A_157 : i32
      %sub3A_159 = arith.constant 2040 : i32
      %sub3A_160 = arith.subi %sub3A_159, %mul3A_158 : i32
      %multiple_of3A_161 = tpu.assume_multiple %sub3A_160, 8 : i32
      %sub3A_162 = arith.subi %select_n3A_153, %select_n3A : i32
      %dma_start3A_163 = arith.constant 0 : i32
      %dma_start3A_164 = arith.constant 0 : i32
      %dma_start3A_165 = tpu.memref_slice %arg4[%sub3A_162, %dma_start3A_164, %multiple_of3A_161] : memref<2x8x4096xf32, #tpu.memory_space<vmem>> -> memref<1x8x2048xf32, #tpu.memory_space<vmem>>
      %dma_start3A_166 = tpu.memref_squeeze %dma_start3A_165 : memref<1x8x2048xf32, #tpu.memory_space<vmem>> -> memref<8x2048xf32, #tpu.memory_space<vmem>>
      %dma_start3A_167 = arith.constant 0 : i32
      %dma_start3A_168 = tpu.memref_slice %arg3[%dma_start3A_163, %select_n3A_153, %mul3A_158, %dma_start3A_167] : memref<1x12x2048x2048xf32, #tpu.memory_space<hbm>> -> memref<1x1x8x2048xf32, #tpu.memory_space<hbm>>
      %dma_start3A_169 = tpu.memref_squeeze %dma_start3A_168 : memref<1x1x8x2048xf32, #tpu.memory_space<hbm>> -> memref<8x2048xf32, #tpu.memory_space<hbm>>
      %dma_start3A_170 = arith.constant 0 : i32
      %dma_start3A_171 = tpu.memref_slice %arg3[%dma_start3A_163, %select_n3A_153, %mul3A_158, %dma_start3A_170] : memref<1x12x2048x2048xf32, #tpu.memory_space<hbm>> -> memref<1x1x8x2048xf32, #tpu.memory_space<hbm>>
      %dma_start3A_172 = tpu.memref_squeeze %dma_start3A_171 : memref<1x1x8x2048xf32, #tpu.memory_space<hbm>> -> memref<8x2048xf32, #tpu.memory_space<hbm>>
      %dma_start3A_173 = arith.constant 0 : i32
      %dma_start3A_174 = tpu.memref_slice %arg4[%sub3A_162, %dma_start3A_173, %multiple_of3A_161] : memref<2x8x4096xf32, #tpu.memory_space<vmem>> -> memref<1x8x2048xf32, #tpu.memory_space<vmem>>
      %dma_start3A_175 = tpu.memref_squeeze %dma_start3A_174 : memref<1x8x2048xf32, #tpu.memory_space<vmem>> -> memref<8x2048xf32, #tpu.memory_space<vmem>>
      tpu.enqueue_dma source(%dma_start3A_175 : memref<8x2048xf32, #tpu.memory_space<vmem>>) target(%dma_start3A_172 : memref<8x2048xf32, #tpu.memory_space<hbm>>) target_semaphore(%arg5 : memref<!tpu.dma_semaphore, #tpu.memory_space<semaphore_mem>>)
      %mul3A_176 = arith.constant 8 : i32
      %mul3A_177 = arith.muli %scan3A_24, %mul3A_176 : i32
      %add3A_178 = arith.addi %mul3A_2, %mul3A_177 : i32
      %add3A_179 = arith.constant 3 : i32
      %add3A_180 = arith.addi %add3A_178, %add3A_179 : i32
      %jit3A_181 = arith.constant 256 : i32
      %div3A_182 = arith.divsi %add3A_180, %jit3A_181 : i32
      %sign3A_183 = arith.constant 0 : i32
      %sign3A_184 = arith.cmpi sgt, %add3A_180, %sign3A_183 : i32
      %sign3A_185 = arith.extui %sign3A_184 : i1 to i32
      %sign3A_186 = arith.constant 0 : i32
      %sign3A_187 = arith.cmpi slt, %add3A_180, %sign3A_186 : i32
      %sign3A_188 = arith.extui %sign3A_187 : i1 to i32
      %sign3A_189 = arith.subi %sign3A_185, %sign3A_188 : i32
      %sign3A_190 = arith.constant 0 : i32
      %sign3A_191 = arith.cmpi sgt, %jit3A_181, %sign3A_190 : i32
      %sign3A_192 = arith.extui %sign3A_191 : i1 to i32
      %sign3A_193 = arith.constant 0 : i32
      %sign3A_194 = arith.cmpi slt, %jit3A_181, %sign3A_193 : i32
      %sign3A_195 = arith.extui %sign3A_194 : i1 to i32
      %sign3A_196 = arith.subi %sign3A_192, %sign3A_195 : i32
      %ne3A_197 = arith.cmpi ne, %sign3A_189, %sign3A_196 : i32
      %rem3A_198 = arith.remsi %add3A_180, %jit3A_181 : i32
      %ne3A_199 = arith.constant 0 : i32
      %ne3A_200 = arith.cmpi ne, %rem3A_198, %ne3A_199 : i32
      %and3A_201 = arith.andi %ne3A_197, %ne3A_200 : i1
      %sub3A_202 = arith.constant 1 : i32
      %sub3A_203 = arith.subi %div3A_182, %sub3A_202 : i32
      %select_n3A_204 = arith.select %and3A_201, %sub3A_203, %div3A_182 : i32
      %mul3A_205 = arith.constant 256 : i32
      %mul3A_206 = arith.muli %select_n3A_204, %mul3A_205 : i32
      %sub3A_207 = arith.subi %add3A_180, %mul3A_206 : i32
      %mul3A_208 = arith.constant 8 : i32
      %mul3A_209 = arith.muli %sub3A_207, %mul3A_208 : i32
      %sub3A_210 = arith.constant 2040 : i32
      %sub3A_211 = arith.subi %sub3A_210, %mul3A_209 : i32
      %multiple_of3A_212 = tpu.assume_multiple %sub3A_211, 8 : i32
      %sub3A_213 = arith.subi %select_n3A_204, %select_n3A : i32
      %dma_start3A_214 = arith.constant 0 : i32
      %dma_start3A_215 = arith.constant 0 : i32
      %dma_start3A_216 = tpu.memref_slice %arg4[%sub3A_213, %dma_start3A_215, %multiple_of3A_212] : memref<2x8x4096xf32, #tpu.memory_space<vmem>> -> memref<1x8x2048xf32, #tpu.memory_space<vmem>>
      %dma_start3A_217 = tpu.memref_squeeze %dma_start3A_216 : memref<1x8x2048xf32, #tpu.memory_space<vmem>> -> memref<8x2048xf32, #tpu.memory_space<vmem>>
      %dma_start3A_218 = arith.constant 0 : i32
      %dma_start3A_219 = tpu.memref_slice %arg3[%dma_start3A_214, %select_n3A_204, %mul3A_209, %dma_start3A_218] : memref<1x12x2048x2048xf32, #tpu.memory_space<hbm>> -> memref<1x1x8x2048xf32, #tpu.memory_space<hbm>>
      %dma_start3A_220 = tpu.memref_squeeze %dma_start3A_219 : memref<1x1x8x2048xf32, #tpu.memory_space<hbm>> -> memref<8x2048xf32, #tpu.memory_space<hbm>>
      %dma_start3A_221 = arith.constant 0 : i32
      %dma_start3A_222 = tpu.memref_slice %arg3[%dma_start3A_214, %select_n3A_204, %mul3A_209, %dma_start3A_221] : memref<1x12x2048x2048xf32, #tpu.memory_space<hbm>> -> memref<1x1x8x2048xf32, #tpu.memory_space<hbm>>
      %dma_start3A_223 = tpu.memref_squeeze %dma_start3A_222 : memref<1x1x8x2048xf32, #tpu.memory_space<hbm>> -> memref<8x2048xf32, #tpu.memory_space<hbm>>
      %dma_start3A_224 = arith.constant 0 : i32
      %dma_start3A_225 = tpu.memref_slice %arg4[%sub3A_213, %dma_start3A_224, %multiple_of3A_212] : memref<2x8x4096xf32, #tpu.memory_space<vmem>> -> memref<1x8x2048xf32, #tpu.memory_space<vmem>>
      %dma_start3A_226 = tpu.memref_squeeze %dma_start3A_225 : memref<1x8x2048xf32, #tpu.memory_space<vmem>> -> memref<8x2048xf32, #tpu.memory_space<vmem>>
      tpu.enqueue_dma source(%dma_start3A_226 : memref<8x2048xf32, #tpu.memory_space<vmem>>) target(%dma_start3A_223 : memref<8x2048xf32, #tpu.memory_space<hbm>>) target_semaphore(%arg5 : memref<!tpu.dma_semaphore, #tpu.memory_space<semaphore_mem>>)
      %mul3A_227 = arith.constant 8 : i32
      %mul3A_228 = arith.muli %scan3A_24, %mul3A_227 : i32
      %add3A_229 = arith.addi %mul3A_2, %mul3A_228 : i32
      %add3A_230 = arith.constant 4 : i32
      %add3A_231 = arith.addi %add3A_229, %add3A_230 : i32
      %jit3A_232 = arith.constant 256 : i32
      %div3A_233 = arith.divsi %add3A_231, %jit3A_232 : i32
      %sign3A_234 = arith.constant 0 : i32
      %sign3A_235 = arith.cmpi sgt, %add3A_231, %sign3A_234 : i32
      %sign3A_236 = arith.extui %sign3A_235 : i1 to i32
      %sign3A_237 = arith.constant 0 : i32
      %sign3A_238 = arith.cmpi slt, %add3A_231, %sign3A_237 : i32
      %sign3A_239 = arith.extui %sign3A_238 : i1 to i32
      %sign3A_240 = arith.subi %sign3A_236, %sign3A_239 : i32
      %sign3A_241 = arith.constant 0 : i32
      %sign3A_242 = arith.cmpi sgt, %jit3A_232, %sign3A_241 : i32
      %sign3A_243 = arith.extui %sign3A_242 : i1 to i32
      %sign3A_244 = arith.constant 0 : i32
      %sign3A_245 = arith.cmpi slt, %jit3A_232, %sign3A_244 : i32
      %sign3A_246 = arith.extui %sign3A_245 : i1 to i32
      %sign3A_247 = arith.subi %sign3A_243, %sign3A_246 : i32
      %ne3A_248 = arith.cmpi ne, %sign3A_240, %sign3A_247 : i32
      %rem3A_249 = arith.remsi %add3A_231, %jit3A_232 : i32
      %ne3A_250 = arith.constant 0 : i32
      %ne3A_251 = arith.cmpi ne, %rem3A_249, %ne3A_250 : i32
      %and3A_252 = arith.andi %ne3A_248, %ne3A_251 : i1
      %sub3A_253 = arith.constant 1 : i32
      %sub3A_254 = arith.subi %div3A_233, %sub3A_253 : i32
      %select_n3A_255 = arith.select %and3A_252, %sub3A_254, %div3A_233 : i32
      %mul3A_256 = arith.constant 256 : i32
      %mul3A_257 = arith.muli %select_n3A_255, %mul3A_256 : i32
      %sub3A_258 = arith.subi %add3A_231, %mul3A_257 : i32
      %mul3A_259 = arith.constant 8 : i32
      %mul3A_260 = arith.muli %sub3A_258, %mul3A_259 : i32
      %sub3A_261 = arith.constant 2040 : i32
      %sub3A_262 = arith.subi %sub3A_261, %mul3A_260 : i32
      %multiple_of3A_263 = tpu.assume_multiple %sub3A_262, 8 : i32
      %sub3A_264 = arith.subi %select_n3A_255, %select_n3A : i32
      %dma_start3A_265 = arith.constant 0 : i32
      %dma_start3A_266 = arith.constant 0 : i32
      %dma_start3A_267 = tpu.memref_slice %arg4[%sub3A_264, %dma_start3A_266, %multiple_of3A_263] : memref<2x8x4096xf32, #tpu.memory_space<vmem>> -> memref<1x8x2048xf32, #tpu.memory_space<vmem>>
      %dma_start3A_268 = tpu.memref_squeeze %dma_start3A_267 : memref<1x8x2048xf32, #tpu.memory_space<vmem>> -> memref<8x2048xf32, #tpu.memory_space<vmem>>
      %dma_start3A_269 = arith.constant 0 : i32
      %dma_start3A_270 = tpu.memref_slice %arg3[%dma_start3A_265, %select_n3A_255, %mul3A_260, %dma_start3A_269] : memref<1x12x2048x2048xf32, #tpu.memory_space<hbm>> -> memref<1x1x8x2048xf32, #tpu.memory_space<hbm>>
      %dma_start3A_271 = tpu.memref_squeeze %dma_start3A_270 : memref<1x1x8x2048xf32, #tpu.memory_space<hbm>> -> memref<8x2048xf32, #tpu.memory_space<hbm>>
      %dma_start3A_272 = arith.constant 0 : i32
      %dma_start3A_273 = tpu.memref_slice %arg3[%dma_start3A_265, %select_n3A_255, %mul3A_260, %dma_start3A_272] : memref<1x12x2048x2048xf32, #tpu.memory_space<hbm>> -> memref<1x1x8x2048xf32, #tpu.memory_space<hbm>>
      %dma_start3A_274 = tpu.memref_squeeze %dma_start3A_273 : memref<1x1x8x2048xf32, #tpu.memory_space<hbm>> -> memref<8x2048xf32, #tpu.memory_space<hbm>>
      %dma_start3A_275 = arith.constant 0 : i32
      %dma_start3A_276 = tpu.memref_slice %arg4[%sub3A_264, %dma_start3A_275, %multiple_of3A_263] : memref<2x8x4096xf32, #tpu.memory_space<vmem>> -> memref<1x8x2048xf32, #tpu.memory_space<vmem>>
      %dma_start3A_277 = tpu.memref_squeeze %dma_start3A_276 : memref<1x8x2048xf32, #tpu.memory_space<vmem>> -> memref<8x2048xf32, #tpu.memory_space<vmem>>
      tpu.enqueue_dma source(%dma_start3A_277 : memref<8x2048xf32, #tpu.memory_space<vmem>>) target(%dma_start3A_274 : memref<8x2048xf32, #tpu.memory_space<hbm>>) target_semaphore(%arg5 : memref<!tpu.dma_semaphore, #tpu.memory_space<semaphore_mem>>)
      %mul3A_278 = arith.constant 8 : i32
      %mul3A_279 = arith.muli %scan3A_24, %mul3A_278 : i32
      %add3A_280 = arith.addi %mul3A_2, %mul3A_279 : i32
      %add3A_281 = arith.constant 5 : i32
      %add3A_282 = arith.addi %add3A_280, %add3A_281 : i32
      %jit3A_283 = arith.constant 256 : i32
      %div3A_284 = arith.divsi %add3A_282, %jit3A_283 : i32
      %sign3A_285 = arith.constant 0 : i32
      %sign3A_286 = arith.cmpi sgt, %add3A_282, %sign3A_285 : i32
      %sign3A_287 = arith.extui %sign3A_286 : i1 to i32
      %sign3A_288 = arith.constant 0 : i32
      %sign3A_289 = arith.cmpi slt, %add3A_282, %sign3A_288 : i32
      %sign3A_290 = arith.extui %sign3A_289 : i1 to i32
      %sign3A_291 = arith.subi %sign3A_287, %sign3A_290 : i32
      %sign3A_292 = arith.constant 0 : i32
      %sign3A_293 = arith.cmpi sgt, %jit3A_283, %sign3A_292 : i32
      %sign3A_294 = arith.extui %sign3A_293 : i1 to i32
      %sign3A_295 = arith.constant 0 : i32
      %sign3A_296 = arith.cmpi slt, %jit3A_283, %sign3A_295 : i32
      %sign3A_297 = arith.extui %sign3A_296 : i1 to i32
      %sign3A_298 = arith.subi %sign3A_294, %sign3A_297 : i32
      %ne3A_299 = arith.cmpi ne, %sign3A_291, %sign3A_298 : i32
      %rem3A_300 = arith.remsi %add3A_282, %jit3A_283 : i32
      %ne3A_301 = arith.constant 0 : i32
      %ne3A_302 = arith.cmpi ne, %rem3A_300, %ne3A_301 : i32
      %and3A_303 = arith.andi %ne3A_299, %ne3A_302 : i1
      %sub3A_304 = arith.constant 1 : i32
      %sub3A_305 = arith.subi %div3A_284, %sub3A_304 : i32
      %select_n3A_306 = arith.select %and3A_303, %sub3A_305, %div3A_284 : i32
      %mul3A_307 = arith.constant 256 : i32
      %mul3A_308 = arith.muli %select_n3A_306, %mul3A_307 : i32
      %sub3A_309 = arith.subi %add3A_282, %mul3A_308 : i32
      %mul3A_310 = arith.constant 8 : i32
      %mul3A_311 = arith.muli %sub3A_309, %mul3A_310 : i32
      %sub3A_312 = arith.constant 2040 : i32
      %sub3A_313 = arith.subi %sub3A_312, %mul3A_311 : i32
      %multiple_of3A_314 = tpu.assume_multiple %sub3A_313, 8 : i32
      %sub3A_315 = arith.subi %select_n3A_306, %select_n3A : i32
      %dma_start3A_316 = arith.constant 0 : i32
      %dma_start3A_317 = arith.constant 0 : i32
      %dma_start3A_318 = tpu.memref_slice %arg4[%sub3A_315, %dma_start3A_317, %multiple_of3A_314] : memref<2x8x4096xf32, #tpu.memory_space<vmem>> -> memref<1x8x2048xf32, #tpu.memory_space<vmem>>
      %dma_start3A_319 = tpu.memref_squeeze %dma_start3A_318 : memref<1x8x2048xf32, #tpu.memory_space<vmem>> -> memref<8x2048xf32, #tpu.memory_space<vmem>>
      %dma_start3A_320 = arith.constant 0 : i32
      %dma_start3A_321 = tpu.memref_slice %arg3[%dma_start3A_316, %select_n3A_306, %mul3A_311, %dma_start3A_320] : memref<1x12x2048x2048xf32, #tpu.memory_space<hbm>> -> memref<1x1x8x2048xf32, #tpu.memory_space<hbm>>
      %dma_start3A_322 = tpu.memref_squeeze %dma_start3A_321 : memref<1x1x8x2048xf32, #tpu.memory_space<hbm>> -> memref<8x2048xf32, #tpu.memory_space<hbm>>
      %dma_start3A_323 = arith.constant 0 : i32
      %dma_start3A_324 = tpu.memref_slice %arg3[%dma_start3A_316, %select_n3A_306, %mul3A_311, %dma_start3A_323] : memref<1x12x2048x2048xf32, #tpu.memory_space<hbm>> -> memref<1x1x8x2048xf32, #tpu.memory_space<hbm>>
      %dma_start3A_325 = tpu.memref_squeeze %dma_start3A_324 : memref<1x1x8x2048xf32, #tpu.memory_space<hbm>> -> memref<8x2048xf32, #tpu.memory_space<hbm>>
      %dma_start3A_326 = arith.constant 0 : i32
      %dma_start3A_327 = tpu.memref_slice %arg4[%sub3A_315, %dma_start3A_326, %multiple_of3A_314] : memref<2x8x4096xf32, #tpu.memory_space<vmem>> -> memref<1x8x2048xf32, #tpu.memory_space<vmem>>
      %dma_start3A_328 = tpu.memref_squeeze %dma_start3A_327 : memref<1x8x2048xf32, #tpu.memory_space<vmem>> -> memref<8x2048xf32, #tpu.memory_space<vmem>>
      tpu.enqueue_dma source(%dma_start3A_328 : memref<8x2048xf32, #tpu.memory_space<vmem>>) target(%dma_start3A_325 : memref<8x2048xf32, #tpu.memory_space<hbm>>) target_semaphore(%arg5 : memref<!tpu.dma_semaphore, #tpu.memory_space<semaphore_mem>>)
      %mul3A_329 = arith.constant 8 : i32
      %mul3A_330 = arith.muli %scan3A_24, %mul3A_329 : i32
      %add3A_331 = arith.addi %mul3A_2, %mul3A_330 : i32
      %add3A_332 = arith.constant 6 : i32
      %add3A_333 = arith.addi %add3A_331, %add3A_332 : i32
      %jit3A_334 = arith.constant 256 : i32
      %div3A_335 = arith.divsi %add3A_333, %jit3A_334 : i32
      %sign3A_336 = arith.constant 0 : i32
      %sign3A_337 = arith.cmpi sgt, %add3A_333, %sign3A_336 : i32
      %sign3A_338 = arith.extui %sign3A_337 : i1 to i32
      %sign3A_339 = arith.constant 0 : i32
      %sign3A_340 = arith.cmpi slt, %add3A_333, %sign3A_339 : i32
      %sign3A_341 = arith.extui %sign3A_340 : i1 to i32
      %sign3A_342 = arith.subi %sign3A_338, %sign3A_341 : i32
      %sign3A_343 = arith.constant 0 : i32
      %sign3A_344 = arith.cmpi sgt, %jit3A_334, %sign3A_343 : i32
      %sign3A_345 = arith.extui %sign3A_344 : i1 to i32
      %sign3A_346 = arith.constant 0 : i32
      %sign3A_347 = arith.cmpi slt, %jit3A_334, %sign3A_346 : i32
      %sign3A_348 = arith.extui %sign3A_347 : i1 to i32
      %sign3A_349 = arith.subi %sign3A_345, %sign3A_348 : i32
      %ne3A_350 = arith.cmpi ne, %sign3A_342, %sign3A_349 : i32
      %rem3A_351 = arith.remsi %add3A_333, %jit3A_334 : i32
      %ne3A_352 = arith.constant 0 : i32
      %ne3A_353 = arith.cmpi ne, %rem3A_351, %ne3A_352 : i32
      %and3A_354 = arith.andi %ne3A_350, %ne3A_353 : i1
      %sub3A_355 = arith.constant 1 : i32
      %sub3A_356 = arith.subi %div3A_335, %sub3A_355 : i32
      %select_n3A_357 = arith.select %and3A_354, %sub3A_356, %div3A_335 : i32
      %mul3A_358 = arith.constant 256 : i32
      %mul3A_359 = arith.muli %select_n3A_357, %mul3A_358 : i32
      %sub3A_360 = arith.subi %add3A_333, %mul3A_359 : i32
      %mul3A_361 = arith.constant 8 : i32
      %mul3A_362 = arith.muli %sub3A_360, %mul3A_361 : i32
      %sub3A_363 = arith.constant 2040 : i32
      %sub3A_364 = arith.subi %sub3A_363, %mul3A_362 : i32
      %multiple_of3A_365 = tpu.assume_multiple %sub3A_364, 8 : i32
      %sub3A_366 = arith.subi %select_n3A_357, %select_n3A : i32
      %dma_start3A_367 = arith.constant 0 : i32
      %dma_start3A_368 = arith.constant 0 : i32
      %dma_start3A_369 = tpu.memref_slice %arg4[%sub3A_366, %dma_start3A_368, %multiple_of3A_365] : memref<2x8x4096xf32, #tpu.memory_space<vmem>> -> memref<1x8x2048xf32, #tpu.memory_space<vmem>>
      %dma_start3A_370 = tpu.memref_squeeze %dma_start3A_369 : memref<1x8x2048xf32, #tpu.memory_space<vmem>> -> memref<8x2048xf32, #tpu.memory_space<vmem>>
      %dma_start3A_371 = arith.constant 0 : i32
      %dma_start3A_372 = tpu.memref_slice %arg3[%dma_start3A_367, %select_n3A_357, %mul3A_362, %dma_start3A_371] : memref<1x12x2048x2048xf32, #tpu.memory_space<hbm>> -> memref<1x1x8x2048xf32, #tpu.memory_space<hbm>>
      %dma_start3A_373 = tpu.memref_squeeze %dma_start3A_372 : memref<1x1x8x2048xf32, #tpu.memory_space<hbm>> -> memref<8x2048xf32, #tpu.memory_space<hbm>>
      %dma_start3A_374 = arith.constant 0 : i32
      %dma_start3A_375 = tpu.memref_slice %arg3[%dma_start3A_367, %select_n3A_357, %mul3A_362, %dma_start3A_374] : memref<1x12x2048x2048xf32, #tpu.memory_space<hbm>> -> memref<1x1x8x2048xf32, #tpu.memory_space<hbm>>
      %dma_start3A_376 = tpu.memref_squeeze %dma_start3A_375 : memref<1x1x8x2048xf32, #tpu.memory_space<hbm>> -> memref<8x2048xf32, #tpu.memory_space<hbm>>
      %dma_start3A_377 = arith.constant 0 : i32
      %dma_start3A_378 = tpu.memref_slice %arg4[%sub3A_366, %dma_start3A_377, %multiple_of3A_365] : memref<2x8x4096xf32, #tpu.memory_space<vmem>> -> memref<1x8x2048xf32, #tpu.memory_space<vmem>>
      %dma_start3A_379 = tpu.memref_squeeze %dma_start3A_378 : memref<1x8x2048xf32, #tpu.memory_space<vmem>> -> memref<8x2048xf32, #tpu.memory_space<vmem>>
      tpu.enqueue_dma source(%dma_start3A_379 : memref<8x2048xf32, #tpu.memory_space<vmem>>) target(%dma_start3A_376 : memref<8x2048xf32, #tpu.memory_space<hbm>>) target_semaphore(%arg5 : memref<!tpu.dma_semaphore, #tpu.memory_space<semaphore_mem>>)
      %mul3A_380 = arith.constant 8 : i32
      %mul3A_381 = arith.muli %scan3A_24, %mul3A_380 : i32
      %add3A_382 = arith.addi %mul3A_2, %mul3A_381 : i32
      %add3A_383 = arith.constant 7 : i32
      %add3A_384 = arith.addi %add3A_382, %add3A_383 : i32
      %jit3A_385 = arith.constant 256 : i32
      %div3A_386 = arith.divsi %add3A_384, %jit3A_385 : i32
      %sign3A_387 = arith.constant 0 : i32
      %sign3A_388 = arith.cmpi sgt, %add3A_384, %sign3A_387 : i32
      %sign3A_389 = arith.extui %sign3A_388 : i1 to i32
      %sign3A_390 = arith.constant 0 : i32
      %sign3A_391 = arith.cmpi slt, %add3A_384, %sign3A_390 : i32
      %sign3A_392 = arith.extui %sign3A_391 : i1 to i32
      %sign3A_393 = arith.subi %sign3A_389, %sign3A_392 : i32
      %sign3A_394 = arith.constant 0 : i32
      %sign3A_395 = arith.cmpi sgt, %jit3A_385, %sign3A_394 : i32
      %sign3A_396 = arith.extui %sign3A_395 : i1 to i32
      %sign3A_397 = arith.constant 0 : i32
      %sign3A_398 = arith.cmpi slt, %jit3A_385, %sign3A_397 : i32
      %sign3A_399 = arith.extui %sign3A_398 : i1 to i32
      %sign3A_400 = arith.subi %sign3A_396, %sign3A_399 : i32
      %ne3A_401 = arith.cmpi ne, %sign3A_393, %sign3A_400 : i32
      %rem3A_402 = arith.remsi %add3A_384, %jit3A_385 : i32
      %ne3A_403 = arith.constant 0 : i32
      %ne3A_404 = arith.cmpi ne, %rem3A_402, %ne3A_403 : i32
      %and3A_405 = arith.andi %ne3A_401, %ne3A_404 : i1
      %sub3A_406 = arith.constant 1 : i32
      %sub3A_407 = arith.subi %div3A_386, %sub3A_406 : i32
      %select_n3A_408 = arith.select %and3A_405, %sub3A_407, %div3A_386 : i32
      %mul3A_409 = arith.constant 256 : i32
      %mul3A_410 = arith.muli %select_n3A_408, %mul3A_409 : i32
      %sub3A_411 = arith.subi %add3A_384, %mul3A_410 : i32
      %mul3A_412 = arith.constant 8 : i32
      %mul3A_413 = arith.muli %sub3A_411, %mul3A_412 : i32
      %sub3A_414 = arith.constant 2040 : i32
      %sub3A_415 = arith.subi %sub3A_414, %mul3A_413 : i32
      %multiple_of3A_416 = tpu.assume_multiple %sub3A_415, 8 : i32
      %sub3A_417 = arith.subi %select_n3A_408, %select_n3A : i32
      %dma_start3A_418 = arith.constant 0 : i32
      %dma_start3A_419 = arith.constant 0 : i32
      %dma_start3A_420 = tpu.memref_slice %arg4[%sub3A_417, %dma_start3A_419, %multiple_of3A_416] : memref<2x8x4096xf32, #tpu.memory_space<vmem>> -> memref<1x8x2048xf32, #tpu.memory_space<vmem>>
      %dma_start3A_421 = tpu.memref_squeeze %dma_start3A_420 : memref<1x8x2048xf32, #tpu.memory_space<vmem>> -> memref<8x2048xf32, #tpu.memory_space<vmem>>
      %dma_start3A_422 = arith.constant 0 : i32
      %dma_start3A_423 = tpu.memref_slice %arg3[%dma_start3A_418, %select_n3A_408, %mul3A_413, %dma_start3A_422] : memref<1x12x2048x2048xf32, #tpu.memory_space<hbm>> -> memref<1x1x8x2048xf32, #tpu.memory_space<hbm>>
      %dma_start3A_424 = tpu.memref_squeeze %dma_start3A_423 : memref<1x1x8x2048xf32, #tpu.memory_space<hbm>> -> memref<8x2048xf32, #tpu.memory_space<hbm>>
      %dma_start3A_425 = arith.constant 0 : i32
      %dma_start3A_426 = tpu.memref_slice %arg3[%dma_start3A_418, %select_n3A_408, %mul3A_413, %dma_start3A_425] : memref<1x12x2048x2048xf32, #tpu.memory_space<hbm>> -> memref<1x1x8x2048xf32, #tpu.memory_space<hbm>>
      %dma_start3A_427 = tpu.memref_squeeze %dma_start3A_426 : memref<1x1x8x2048xf32, #tpu.memory_space<hbm>> -> memref<8x2048xf32, #tpu.memory_space<hbm>>
      %dma_start3A_428 = arith.constant 0 : i32
      %dma_start3A_429 = tpu.memref_slice %arg4[%sub3A_417, %dma_start3A_428, %multiple_of3A_416] : memref<2x8x4096xf32, #tpu.memory_space<vmem>> -> memref<1x8x2048xf32, #tpu.memory_space<vmem>>
      %dma_start3A_430 = tpu.memref_squeeze %dma_start3A_429 : memref<1x8x2048xf32, #tpu.memory_space<vmem>> -> memref<8x2048xf32, #tpu.memory_space<vmem>>
      tpu.enqueue_dma source(%dma_start3A_430 : memref<8x2048xf32, #tpu.memory_space<vmem>>) target(%dma_start3A_427 : memref<8x2048xf32, #tpu.memory_space<hbm>>) target_semaphore(%arg5 : memref<!tpu.dma_semaphore, #tpu.memory_space<semaphore_mem>>)
      %dma_wait3A = arith.constant 0 : i32
      %dma_wait3A_431 = arith.constant 0 : i32
      %dma_wait3A_432 = tpu.memref_slice %arg4[%sub3A_61, %dma_wait3A_431, %multiple_of3A] : memref<2x8x4096xf32, #tpu.memory_space<vmem>> -> memref<1x8x2048xf32, #tpu.memory_space<vmem>>
      %dma_wait3A_433 = tpu.memref_squeeze %dma_wait3A_432 : memref<1x8x2048xf32, #tpu.memory_space<vmem>> -> memref<8x2048xf32, #tpu.memory_space<vmem>>
      %dma_wait3A_434 = arith.constant 0 : i32
      %dma_wait3A_435 = tpu.memref_slice %arg3[%dma_wait3A, %select_n3A_53, %mul3A_58, %dma_wait3A_434] : memref<1x12x2048x2048xf32, #tpu.memory_space<hbm>> -> memref<1x1x8x2048xf32, #tpu.memory_space<hbm>>
      %dma_wait3A_436 = tpu.memref_squeeze %dma_wait3A_435 : memref<1x1x8x2048xf32, #tpu.memory_space<hbm>> -> memref<8x2048xf32, #tpu.memory_space<hbm>>
      %dma_wait3A_437 = arith.constant 0 : i32
      %dma_wait3A_438 = tpu.memref_slice %arg3[%dma_wait3A, %select_n3A_53, %mul3A_58, %dma_wait3A_437] : memref<1x12x2048x2048xf32, #tpu.memory_space<hbm>> -> memref<1x1x8x2048xf32, #tpu.memory_space<hbm>>
      %dma_wait3A_439 = tpu.memref_squeeze %dma_wait3A_438 : memref<1x1x8x2048xf32, #tpu.memory_space<hbm>> -> memref<8x2048xf32, #tpu.memory_space<hbm>>
      %dma_wait3A_440 = arith.constant 0 : i32
      %dma_wait3A_441 = tpu.memref_slice %arg4[%sub3A_61, %dma_wait3A_440, %multiple_of3A] : memref<2x8x4096xf32, #tpu.memory_space<vmem>> -> memref<1x8x2048xf32, #tpu.memory_space<vmem>>
      %dma_wait3A_442 = tpu.memref_squeeze %dma_wait3A_441 : memref<1x8x2048xf32, #tpu.memory_space<vmem>> -> memref<8x2048xf32, #tpu.memory_space<vmem>>
      tpu.wait_dma2 semaphore(%arg5 : memref<!tpu.dma_semaphore, #tpu.memory_space<semaphore_mem>>) src(%dma_wait3A_442 : memref<8x2048xf32, #tpu.memory_space<vmem>>) dst(%dma_wait3A_439 : memref<8x2048xf32, #tpu.memory_space<hbm>>)
      %dma_wait3A_443 = arith.constant 0 : i32
      %dma_wait3A_444 = arith.constant 0 : i32
      %dma_wait3A_445 = tpu.memref_slice %arg4[%sub3A_111, %dma_wait3A_444, %multiple_of3A_110] : memref<2x8x4096xf32, #tpu.memory_space<vmem>> -> memref<1x8x2048xf32, #tpu.memory_space<vmem>>
      %dma_wait3A_446 = tpu.memref_squeeze %dma_wait3A_445 : memref<1x8x2048xf32, #tpu.memory_space<vmem>> -> memref<8x2048xf32, #tpu.memory_space<vmem>>
      %dma_wait3A_447 = arith.constant 0 : i32
      %dma_wait3A_448 = tpu.memref_slice %arg3[%dma_wait3A_443, %select_n3A_102, %mul3A_107, %dma_wait3A_447] : memref<1x12x2048x2048xf32, #tpu.memory_space<hbm>> -> memref<1x1x8x2048xf32, #tpu.memory_space<hbm>>
      %dma_wait3A_449 = tpu.memref_squeeze %dma_wait3A_448 : memref<1x1x8x2048xf32, #tpu.memory_space<hbm>> -> memref<8x2048xf32, #tpu.memory_space<hbm>>
      %dma_wait3A_450 = arith.constant 0 : i32
      %dma_wait3A_451 = tpu.memref_slice %arg3[%dma_wait3A_443, %select_n3A_102, %mul3A_107, %dma_wait3A_450] : memref<1x12x2048x2048xf32, #tpu.memory_space<hbm>> -> memref<1x1x8x2048xf32, #tpu.memory_space<hbm>>
      %dma_wait3A_452 = tpu.memref_squeeze %dma_wait3A_451 : memref<1x1x8x2048xf32, #tpu.memory_space<hbm>> -> memref<8x2048xf32, #tpu.memory_space<hbm>>
      %dma_wait3A_453 = arith.constant 0 : i32
      %dma_wait3A_454 = tpu.memref_slice %arg4[%sub3A_111, %dma_wait3A_453, %multiple_of3A_110] : memref<2x8x4096xf32, #tpu.memory_space<vmem>> -> memref<1x8x2048xf32, #tpu.memory_space<vmem>>
      %dma_wait3A_455 = tpu.memref_squeeze %dma_wait3A_454 : memref<1x8x2048xf32, #tpu.memory_space<vmem>> -> memref<8x2048xf32, #tpu.memory_space<vmem>>
      tpu.wait_dma2 semaphore(%arg5 : memref<!tpu.dma_semaphore, #tpu.memory_space<semaphore_mem>>) src(%dma_wait3A_455 : memref<8x2048xf32, #tpu.memory_space<vmem>>) dst(%dma_wait3A_452 : memref<8x2048xf32, #tpu.memory_space<hbm>>)
      %dma_wait3A_456 = arith.constant 0 : i32
      %dma_wait3A_457 = arith.constant 0 : i32
      %dma_wait3A_458 = tpu.memref_slice %arg4[%sub3A_162, %dma_wait3A_457, %multiple_of3A_161] : memref<2x8x4096xf32, #tpu.memory_space<vmem>> -> memref<1x8x2048xf32, #tpu.memory_space<vmem>>
      %dma_wait3A_459 = tpu.memref_squeeze %dma_wait3A_458 : memref<1x8x2048xf32, #tpu.memory_space<vmem>> -> memref<8x2048xf32, #tpu.memory_space<vmem>>
      %dma_wait3A_460 = arith.constant 0 : i32
      %dma_wait3A_461 = tpu.memref_slice %arg3[%dma_wait3A_456, %select_n3A_153, %mul3A_158, %dma_wait3A_460] : memref<1x12x2048x2048xf32, #tpu.memory_space<hbm>> -> memref<1x1x8x2048xf32, #tpu.memory_space<hbm>>
      %dma_wait3A_462 = tpu.memref_squeeze %dma_wait3A_461 : memref<1x1x8x2048xf32, #tpu.memory_space<hbm>> -> memref<8x2048xf32, #tpu.memory_space<hbm>>
      %dma_wait3A_463 = arith.constant 0 : i32
      %dma_wait3A_464 = tpu.memref_slice %arg3[%dma_wait3A_456, %select_n3A_153, %mul3A_158, %dma_wait3A_463] : memref<1x12x2048x2048xf32, #tpu.memory_space<hbm>> -> memref<1x1x8x2048xf32, #tpu.memory_space<hbm>>
      %dma_wait3A_465 = tpu.memref_squeeze %dma_wait3A_464 : memref<1x1x8x2048xf32, #tpu.memory_space<hbm>> -> memref<8x2048xf32, #tpu.memory_space<hbm>>
      %dma_wait3A_466 = arith.constant 0 : i32
      %dma_wait3A_467 = tpu.memref_slice %arg4[%sub3A_162, %dma_wait3A_466, %multiple_of3A_161] : memref<2x8x4096xf32, #tpu.memory_space<vmem>> -> memref<1x8x2048xf32, #tpu.memory_space<vmem>>
      %dma_wait3A_468 = tpu.memref_squeeze %dma_wait3A_467 : memref<1x8x2048xf32, #tpu.memory_space<vmem>> -> memref<8x2048xf32, #tpu.memory_space<vmem>>
      tpu.wait_dma2 semaphore(%arg5 : memref<!tpu.dma_semaphore, #tpu.memory_space<semaphore_mem>>) src(%dma_wait3A_468 : memref<8x2048xf32, #tpu.memory_space<vmem>>) dst(%dma_wait3A_465 : memref<8x2048xf32, #tpu.memory_space<hbm>>)
      %dma_wait3A_469 = arith.constant 0 : i32
      %dma_wait3A_470 = arith.constant 0 : i32
      %dma_wait3A_471 = tpu.memref_slice %arg4[%sub3A_213, %dma_wait3A_470, %multiple_of3A_212] : memref<2x8x4096xf32, #tpu.memory_space<vmem>> -> memref<1x8x2048xf32, #tpu.memory_space<vmem>>
      %dma_wait3A_472 = tpu.memref_squeeze %dma_wait3A_471 : memref<1x8x2048xf32, #tpu.memory_space<vmem>> -> memref<8x2048xf32, #tpu.memory_space<vmem>>
      %dma_wait3A_473 = arith.constant 0 : i32
      %dma_wait3A_474 = tpu.memref_slice %arg3[%dma_wait3A_469, %select_n3A_204, %mul3A_209, %dma_wait3A_473] : memref<1x12x2048x2048xf32, #tpu.memory_space<hbm>> -> memref<1x1x8x2048xf32, #tpu.memory_space<hbm>>
      %dma_wait3A_475 = tpu.memref_squeeze %dma_wait3A_474 : memref<1x1x8x2048xf32, #tpu.memory_space<hbm>> -> memref<8x2048xf32, #tpu.memory_space<hbm>>
      %dma_wait3A_476 = arith.constant 0 : i32
      %dma_wait3A_477 = tpu.memref_slice %arg3[%dma_wait3A_469, %select_n3A_204, %mul3A_209, %dma_wait3A_476] : memref<1x12x2048x2048xf32, #tpu.memory_space<hbm>> -> memref<1x1x8x2048xf32, #tpu.memory_space<hbm>>
      %dma_wait3A_478 = tpu.memref_squeeze %dma_wait3A_477 : memref<1x1x8x2048xf32, #tpu.memory_space<hbm>> -> memref<8x2048xf32, #tpu.memory_space<hbm>>
      %dma_wait3A_479 = arith.constant 0 : i32
      %dma_wait3A_480 = tpu.memref_slice %arg4[%sub3A_213, %dma_wait3A_479, %multiple_of3A_212] : memref<2x8x4096xf32, #tpu.memory_space<vmem>> -> memref<1x8x2048xf32, #tpu.memory_space<vmem>>
      %dma_wait3A_481 = tpu.memref_squeeze %dma_wait3A_480 : memref<1x8x2048xf32, #tpu.memory_space<vmem>> -> memref<8x2048xf32, #tpu.memory_space<vmem>>
      tpu.wait_dma2 semaphore(%arg5 : memref<!tpu.dma_semaphore, #tpu.memory_space<semaphore_mem>>) src(%dma_wait3A_481 : memref<8x2048xf32, #tpu.memory_space<vmem>>) dst(%dma_wait3A_478 : memref<8x2048xf32, #tpu.memory_space<hbm>>)
      %dma_wait3A_482 = arith.constant 0 : i32
      %dma_wait3A_483 = arith.constant 0 : i32
      %dma_wait3A_484 = tpu.memref_slice %arg4[%sub3A_264, %dma_wait3A_483, %multiple_of3A_263] : memref<2x8x4096xf32, #tpu.memory_space<vmem>> -> memref<1x8x2048xf32, #tpu.memory_space<vmem>>
      %dma_wait3A_485 = tpu.memref_squeeze %dma_wait3A_484 : memref<1x8x2048xf32, #tpu.memory_space<vmem>> -> memref<8x2048xf32, #tpu.memory_space<vmem>>
      %dma_wait3A_486 = arith.constant 0 : i32
      %dma_wait3A_487 = tpu.memref_slice %arg3[%dma_wait3A_482, %select_n3A_255, %mul3A_260, %dma_wait3A_486] : memref<1x12x2048x2048xf32, #tpu.memory_space<hbm>> -> memref<1x1x8x2048xf32, #tpu.memory_space<hbm>>
      %dma_wait3A_488 = tpu.memref_squeeze %dma_wait3A_487 : memref<1x1x8x2048xf32, #tpu.memory_space<hbm>> -> memref<8x2048xf32, #tpu.memory_space<hbm>>
      %dma_wait3A_489 = arith.constant 0 : i32
      %dma_wait3A_490 = tpu.memref_slice %arg3[%dma_wait3A_482, %select_n3A_255, %mul3A_260, %dma_wait3A_489] : memref<1x12x2048x2048xf32, #tpu.memory_space<hbm>> -> memref<1x1x8x2048xf32, #tpu.memory_space<hbm>>
      %dma_wait3A_491 = tpu.memref_squeeze %dma_wait3A_490 : memref<1x1x8x2048xf32, #tpu.memory_space<hbm>> -> memref<8x2048xf32, #tpu.memory_space<hbm>>
      %dma_wait3A_492 = arith.constant 0 : i32
      %dma_wait3A_493 = tpu.memref_slice %arg4[%sub3A_264, %dma_wait3A_492, %multiple_of3A_263] : memref<2x8x4096xf32, #tpu.memory_space<vmem>> -> memref<1x8x2048xf32, #tpu.memory_space<vmem>>
      %dma_wait3A_494 = tpu.memref_squeeze %dma_wait3A_493 : memref<1x8x2048xf32, #tpu.memory_space<vmem>> -> memref<8x2048xf32, #tpu.memory_space<vmem>>
      tpu.wait_dma2 semaphore(%arg5 : memref<!tpu.dma_semaphore, #tpu.memory_space<semaphore_mem>>) src(%dma_wait3A_494 : memref<8x2048xf32, #tpu.memory_space<vmem>>) dst(%dma_wait3A_491 : memref<8x2048xf32, #tpu.memory_space<hbm>>)
      %dma_wait3A_495 = arith.constant 0 : i32
      %dma_wait3A_496 = arith.constant 0 : i32
      %dma_wait3A_497 = tpu.memref_slice %arg4[%sub3A_315, %dma_wait3A_496, %multiple_of3A_314] : memref<2x8x4096xf32, #tpu.memory_space<vmem>> -> memref<1x8x2048xf32, #tpu.memory_space<vmem>>
      %dma_wait3A_498 = tpu.memref_squeeze %dma_wait3A_497 : memref<1x8x2048xf32, #tpu.memory_space<vmem>> -> memref<8x2048xf32, #tpu.memory_space<vmem>>
      %dma_wait3A_499 = arith.constant 0 : i32
      %dma_wait3A_500 = tpu.memref_slice %arg3[%dma_wait3A_495, %select_n3A_306, %mul3A_311, %dma_wait3A_499] : memref<1x12x2048x2048xf32, #tpu.memory_space<hbm>> -> memref<1x1x8x2048xf32, #tpu.memory_space<hbm>>
      %dma_wait3A_501 = tpu.memref_squeeze %dma_wait3A_500 : memref<1x1x8x2048xf32, #tpu.memory_space<hbm>> -> memref<8x2048xf32, #tpu.memory_space<hbm>>
      %dma_wait3A_502 = arith.constant 0 : i32
      %dma_wait3A_503 = tpu.memref_slice %arg3[%dma_wait3A_495, %select_n3A_306, %mul3A_311, %dma_wait3A_502] : memref<1x12x2048x2048xf32, #tpu.memory_space<hbm>> -> memref<1x1x8x2048xf32, #tpu.memory_space<hbm>>
      %dma_wait3A_504 = tpu.memref_squeeze %dma_wait3A_503 : memref<1x1x8x2048xf32, #tpu.memory_space<hbm>> -> memref<8x2048xf32, #tpu.memory_space<hbm>>
      %dma_wait3A_505 = arith.constant 0 : i32
      %dma_wait3A_506 = tpu.memref_slice %arg4[%sub3A_315, %dma_wait3A_505, %multiple_of3A_314] : memref<2x8x4096xf32, #tpu.memory_space<vmem>> -> memref<1x8x2048xf32, #tpu.memory_space<vmem>>
      %dma_wait3A_507 = tpu.memref_squeeze %dma_wait3A_506 : memref<1x8x2048xf32, #tpu.memory_space<vmem>> -> memref<8x2048xf32, #tpu.memory_space<vmem>>
      tpu.wait_dma2 semaphore(%arg5 : memref<!tpu.dma_semaphore, #tpu.memory_space<semaphore_mem>>) src(%dma_wait3A_507 : memref<8x2048xf32, #tpu.memory_space<vmem>>) dst(%dma_wait3A_504 : memref<8x2048xf32, #tpu.memory_space<hbm>>)
      %dma_wait3A_508 = arith.constant 0 : i32
      %dma_wait3A_509 = arith.constant 0 : i32
      %dma_wait3A_510 = tpu.memref_slice %arg4[%sub3A_366, %dma_wait3A_509, %multiple_of3A_365] : memref<2x8x4096xf32, #tpu.memory_space<vmem>> -> memref<1x8x2048xf32, #tpu.memory_space<vmem>>
      %dma_wait3A_511 = tpu.memref_squeeze %dma_wait3A_510 : memref<1x8x2048xf32, #tpu.memory_space<vmem>> -> memref<8x2048xf32, #tpu.memory_space<vmem>>
      %dma_wait3A_512 = arith.constant 0 : i32
      %dma_wait3A_513 = tpu.memref_slice %arg3[%dma_wait3A_508, %select_n3A_357, %mul3A_362, %dma_wait3A_512] : memref<1x12x2048x2048xf32, #tpu.memory_space<hbm>> -> memref<1x1x8x2048xf32, #tpu.memory_space<hbm>>
      %dma_wait3A_514 = tpu.memref_squeeze %dma_wait3A_513 : memref<1x1x8x2048xf32, #tpu.memory_space<hbm>> -> memref<8x2048xf32, #tpu.memory_space<hbm>>
      %dma_wait3A_515 = arith.constant 0 : i32
      %dma_wait3A_516 = tpu.memref_slice %arg3[%dma_wait3A_508, %select_n3A_357, %mul3A_362, %dma_wait3A_515] : memref<1x12x2048x2048xf32, #tpu.memory_space<hbm>> -> memref<1x1x8x2048xf32, #tpu.memory_space<hbm>>
      %dma_wait3A_517 = tpu.memref_squeeze %dma_wait3A_516 : memref<1x1x8x2048xf32, #tpu.memory_space<hbm>> -> memref<8x2048xf32, #tpu.memory_space<hbm>>
      %dma_wait3A_518 = arith.constant 0 : i32
      %dma_wait3A_519 = tpu.memref_slice %arg4[%sub3A_366, %dma_wait3A_518, %multiple_of3A_365] : memref<2x8x4096xf32, #tpu.memory_space<vmem>> -> memref<1x8x2048xf32, #tpu.memory_space<vmem>>
      %dma_wait3A_520 = tpu.memref_squeeze %dma_wait3A_519 : memref<1x8x2048xf32, #tpu.memory_space<vmem>> -> memref<8x2048xf32, #tpu.memory_space<vmem>>
      tpu.wait_dma2 semaphore(%arg5 : memref<!tpu.dma_semaphore, #tpu.memory_space<semaphore_mem>>) src(%dma_wait3A_520 : memref<8x2048xf32, #tpu.memory_space<vmem>>) dst(%dma_wait3A_517 : memref<8x2048xf32, #tpu.memory_space<hbm>>)
      %dma_wait3A_521 = arith.constant 0 : i32
      %dma_wait3A_522 = arith.constant 0 : i32
      %dma_wait3A_523 = tpu.memref_slice %arg4[%sub3A_417, %dma_wait3A_522, %multiple_of3A_416] : memref<2x8x4096xf32, #tpu.memory_space<vmem>> -> memref<1x8x2048xf32, #tpu.memory_space<vmem>>
      %dma_wait3A_524 = tpu.memref_squeeze %dma_wait3A_523 : memref<1x8x2048xf32, #tpu.memory_space<vmem>> -> memref<8x2048xf32, #tpu.memory_space<vmem>>
      %dma_wait3A_525 = arith.constant 0 : i32
      %dma_wait3A_526 = tpu.memref_slice %arg3[%dma_wait3A_521, %select_n3A_408, %mul3A_413, %dma_wait3A_525] : memref<1x12x2048x2048xf32, #tpu.memory_space<hbm>> -> memref<1x1x8x2048xf32, #tpu.memory_space<hbm>>
      %dma_wait3A_527 = tpu.memref_squeeze %dma_wait3A_526 : memref<1x1x8x2048xf32, #tpu.memory_space<hbm>> -> memref<8x2048xf32, #tpu.memory_space<hbm>>
      %dma_wait3A_528 = arith.constant 0 : i32
      %dma_wait3A_529 = tpu.memref_slice %arg3[%dma_wait3A_521, %select_n3A_408, %mul3A_413, %dma_wait3A_528] : memref<1x12x2048x2048xf32, #tpu.memory_space<hbm>> -> memref<1x1x8x2048xf32, #tpu.memory_space<hbm>>
      %dma_wait3A_530 = tpu.memref_squeeze %dma_wait3A_529 : memref<1x1x8x2048xf32, #tpu.memory_space<hbm>> -> memref<8x2048xf32, #tpu.memory_space<hbm>>
      %dma_wait3A_531 = arith.constant 0 : i32
      %dma_wait3A_532 = tpu.memref_slice %arg4[%sub3A_417, %dma_wait3A_531, %multiple_of3A_416] : memref<2x8x4096xf32, #tpu.memory_space<vmem>> -> memref<1x8x2048xf32, #tpu.memory_space<vmem>>
      %dma_wait3A_533 = tpu.memref_squeeze %dma_wait3A_532 : memref<1x8x2048xf32, #tpu.memory_space<vmem>> -> memref<8x2048xf32, #tpu.memory_space<vmem>>
      tpu.wait_dma2 semaphore(%arg5 : memref<!tpu.dma_semaphore, #tpu.memory_space<semaphore_mem>>) src(%dma_wait3A_533 : memref<8x2048xf32, #tpu.memory_space<vmem>>) dst(%dma_wait3A_530 : memref<8x2048xf32, #tpu.memory_space<hbm>>)
    }
    %scan3A_23 = arith.constant 12 : i32
    return
  }
}

module attributes {stable_mosaic.version = 14 : i64} {
  func.func @_table_body(%arg0: memref<16x32xf32, #tpu.memory_space<vmem>>, %arg1: memref<16x8x4096xf32, #tpu.memory_space<vmem>>) attributes {dimension_semantics = [], scalar_prefetch = 0 : i64, scratch_operands = 0 : i64, tpu.core_type = #tpu.core_type<tc>} {
    %iota3A = tpu.iota {dimensions = array<i32: 1>} : vector<1x4096xi32>
    %sub3A = arith.constant 0 : i32
    %sub3A_0 = vector.broadcast %sub3A : i32 to vector<1x4096xi32>
    %sub3A_1 = arith.subi %iota3A, %sub3A_0 : vector<1x4096xi32>
    %sub3A_2 = arith.constant 2040 : i32
    %sub3A_3 = vector.broadcast %sub3A_2 : i32 to vector<1x4096xi32>
    %sub3A_4 = arith.subi %sub3A_1, %sub3A_3 : vector<1x4096xi32>
    %gt3A = arith.constant 0 : i32
    %gt3A_5 = vector.broadcast %gt3A : i32 to vector<1x4096xi32>
    %gt3A_6 = arith.cmpi sgt, %sub3A_4, %gt3A_5 : vector<1x4096xi32>
    %jit3A = arith.constant 16 : i32
    %jit3A_7 = arith.constant 0 : i32
    %broadcast_in_dim3A = vector.broadcast %jit3A : i32 to vector<1x4096xi32>
    %broadcast_in_dim3A_8 = vector.broadcast %jit3A_7 : i32 to vector<1x4096xi32>
    %select_n3A = arith.select %gt3A_6, %broadcast_in_dim3A, %broadcast_in_dim3A_8 : vector<1x4096xi1>, vector<1x4096xi32>
    %abs3A = math.absi %sub3A_4 : vector<1x4096xi32>
    %max3A = arith.constant 1 : i32
    %max3A_9 = vector.broadcast %max3A : i32 to vector<1x4096xi32>
    %max3A_10 = arith.maxsi %abs3A, %max3A_9 : vector<1x4096xi32>
    %convert_element_type3A = arith.sitofp %max3A_10 : vector<1x4096xi32> to vector<1x4096xf32>
    %bitcast_convert_type3A = tpu.bitcast %convert_element_type3A : vector<1x4096xf32> -> vector<1x4096xi32>
    %shift_right_arithmetic3A = arith.constant 23 : i32
    %shift_right_arithmetic3A_11 = vector.broadcast %shift_right_arithmetic3A : i32 to vector<1x4096xi32>
    %shift_right_arithmetic3A_12 = arith.shrsi %bitcast_convert_type3A, %shift_right_arithmetic3A_11 : vector<1x4096xi32>
    %sub3A_13 = arith.constant 127 : i32
    %sub3A_14 = vector.broadcast %sub3A_13 : i32 to vector<1x4096xi32>
    %sub3A_15 = arith.subi %shift_right_arithmetic3A_12, %sub3A_14 : vector<1x4096xi32>
    %mul3A = arith.constant 2 : i32
    %mul3A_16 = vector.broadcast %mul3A : i32 to vector<1x4096xi32>
    %mul3A_17 = arith.muli %mul3A_16, %sub3A_15 : vector<1x4096xi32>
    %mul3A_18 = arith.muli %max3A_10, %max3A_10 : vector<1x4096xi32>
    %mul3A_19 = arith.constant 2 : i32
    %mul3A_20 = vector.broadcast %mul3A_19 : i32 to vector<1x4096xi32>
    %mul3A_21 = arith.muli %mul3A_20, %sub3A_15 : vector<1x4096xi32>
    %add3A = arith.constant 1 : i32
    %add3A_22 = vector.broadcast %add3A : i32 to vector<1x4096xi32>
    %add3A_23 = arith.addi %mul3A_21, %add3A_22 : vector<1x4096xi32>
    %shift_left3A = arith.constant 1 : i32
    %shift_left3A_24 = vector.broadcast %shift_left3A : i32 to vector<1x4096xi32>
    %shift_left3A_25 = arith.shli %shift_left3A_24, %add3A_23 : vector<1x4096xi32>
    %ge3A = arith.cmpi sge, %mul3A_18, %shift_left3A_25 : vector<1x4096xi32>
    %jit3A_26 = arith.constant 1 : i32
    %jit3A_27 = arith.constant 0 : i32
    %broadcast_in_dim3A_28 = vector.broadcast %jit3A_26 : i32 to vector<1x4096xi32>
    %broadcast_in_dim3A_29 = vector.broadcast %jit3A_27 : i32 to vector<1x4096xi32>
    %select_n3A_30 = arith.select %ge3A, %broadcast_in_dim3A_28, %broadcast_in_dim3A_29 : vector<1x4096xi1>, vector<1x4096xi32>
    %add3A_31 = arith.addi %mul3A_17, %select_n3A_30 : vector<1x4096xi32>
    %add3A_32 = arith.constant 2 : i32
    %add3A_33 = vector.broadcast %add3A_32 : i32 to vector<1x4096xi32>
    %add3A_34 = arith.addi %add3A_31, %add3A_33 : vector<1x4096xi32>
    %min3A = arith.constant 15 : i32
    %min3A_35 = vector.broadcast %min3A : i32 to vector<1x4096xi32>
    %min3A_36 = arith.minsi %add3A_34, %min3A_35 : vector<1x4096xi32>
    %lt3A = arith.constant 8 : i32
    %lt3A_37 = vector.broadcast %lt3A : i32 to vector<1x4096xi32>
    %lt3A_38 = arith.cmpi slt, %abs3A, %lt3A_37 : vector<1x4096xi32>
    %select_n3A_39 = arith.select %lt3A_38, %abs3A, %min3A_36 : vector<1x4096xi1>, vector<1x4096xi32>
    %add3A_40 = arith.addi %select_n3A_39, %select_n3A : vector<1x4096xi32>
    %iota3A_41 = tpu.iota {dimensions = array<i32: 0>} : vector<32x4096xi32>
    %eq3A = vector.broadcast %add3A_40 : vector<1x4096xi32> to vector<32x4096xi32>
    %eq3A_42 = arith.cmpi eq, %iota3A_41, %eq3A : vector<32x4096xi32>
    %convert_element_type3A_43 = arith.extui %eq3A_42 : vector<32x4096xi1> to vector<32x4096xi32>
    %convert_element_type3A_44 = arith.sitofp %convert_element_type3A_43 : vector<32x4096xi32> to vector<32x4096xf32>
    %get3A = arith.constant 0 : index
    %get3A_45 = arith.constant 0 : index
    %get3A_46 = vector.load %arg0[%get3A, %get3A_45] : memref<16x32xf32, #tpu.memory_space<vmem>>, vector<16x32xf32>
    %dot_general3A = arith.constant dense<0.000000e+00> : vector<16x4096xf32>
    %dot_general3A_47 = tpu.matmul %get3A_46, %convert_element_type3A_44, %dot_general3A {dimension_numbers = #tpu.dot_dimension_numbers<[1], [0], [0], [1], [0, 0, 1, 1], [], []>, precision = #tpu.contract_precision<fp32>, transpose_lhs_hint = false} : vector<16x32xf32>, vector<32x4096xf32>, vector<16x4096xf32> -> vector<16x4096xf32>
    %swap3A = arith.constant 0 : index
    %swap3A_48 = arith.constant 0 : index
    %swap3A_49 = arith.constant 0 : index
    %swap3A_50 = vector.load %arg1[%swap3A, %swap3A_48, %swap3A_49] : memref<16x8x4096xf32, #tpu.memory_space<vmem>>, vector<16x1x4096xf32>
    %swap3A_51 = vector.shape_cast %swap3A_50 : vector<16x1x4096xf32> to vector<16x4096xf32>
    %swap3A_52 = vector.shape_cast %dot_general3A_47 : vector<16x4096xf32> to vector<16x1x4096xf32>
    tpu.vector_store %arg1[%swap3A, %swap3A_48, %swap3A_49], %swap3A_52 {strides = array<i32>} : memref<16x8x4096xf32, #tpu.memory_space<vmem>>, vector<16x1x4096xf32>,
    %iota3A_53 = tpu.iota {dimensions = array<i32: 1>} : vector<1x4096xi32>
    %sub3A_54 = arith.constant 1 : i32
    %sub3A_55 = vector.broadcast %sub3A_54 : i32 to vector<1x4096xi32>
    %sub3A_56 = arith.subi %iota3A_53, %sub3A_55 : vector<1x4096xi32>
    %sub3A_57 = arith.constant 2040 : i32
    %sub3A_58 = vector.broadcast %sub3A_57 : i32 to vector<1x4096xi32>
    %sub3A_59 = arith.subi %sub3A_56, %sub3A_58 : vector<1x4096xi32>
    %gt3A_60 = arith.constant 0 : i32
    %gt3A_61 = vector.broadcast %gt3A_60 : i32 to vector<1x4096xi32>
    %gt3A_62 = arith.cmpi sgt, %sub3A_59, %gt3A_61 : vector<1x4096xi32>
    %jit3A_63 = arith.constant 16 : i32
    %jit3A_64 = arith.constant 0 : i32
    %broadcast_in_dim3A_65 = vector.broadcast %jit3A_63 : i32 to vector<1x4096xi32>
    %broadcast_in_dim3A_66 = vector.broadcast %jit3A_64 : i32 to vector<1x4096xi32>
    %select_n3A_67 = arith.select %gt3A_62, %broadcast_in_dim3A_65, %broadcast_in_dim3A_66 : vector<1x4096xi1>, vector<1x4096xi32>
    %abs3A_68 = math.absi %sub3A_59 : vector<1x4096xi32>
    %max3A_69 = arith.constant 1 : i32
    %max3A_70 = vector.broadcast %max3A_69 : i32 to vector<1x4096xi32>
    %max3A_71 = arith.maxsi %abs3A_68, %max3A_70 : vector<1x4096xi32>
    %convert_element_type3A_72 = arith.sitofp %max3A_71 : vector<1x4096xi32> to vector<1x4096xf32>
    %bitcast_convert_type3A_73 = tpu.bitcast %convert_element_type3A_72 : vector<1x4096xf32> -> vector<1x4096xi32>
    %shift_right_arithmetic3A_74 = arith.constant 23 : i32
    %shift_right_arithmetic3A_75 = vector.broadcast %shift_right_arithmetic3A_74 : i32 to vector<1x4096xi32>
    %shift_right_arithmetic3A_76 = arith.shrsi %bitcast_convert_type3A_73, %shift_right_arithmetic3A_75 : vector<1x4096xi32>
    %sub3A_77 = arith.constant 127 : i32
    %sub3A_78 = vector.broadcast %sub3A_77 : i32 to vector<1x4096xi32>
    %sub3A_79 = arith.subi %shift_right_arithmetic3A_76, %sub3A_78 : vector<1x4096xi32>
    %mul3A_80 = arith.constant 2 : i32
    %mul3A_81 = vector.broadcast %mul3A_80 : i32 to vector<1x4096xi32>
    %mul3A_82 = arith.muli %mul3A_81, %sub3A_79 : vector<1x4096xi32>
    %mul3A_83 = arith.muli %max3A_71, %max3A_71 : vector<1x4096xi32>
    %mul3A_84 = arith.constant 2 : i32
    %mul3A_85 = vector.broadcast %mul3A_84 : i32 to vector<1x4096xi32>
    %mul3A_86 = arith.muli %mul3A_85, %sub3A_79 : vector<1x4096xi32>
    %add3A_87 = arith.constant 1 : i32
    %add3A_88 = vector.broadcast %add3A_87 : i32 to vector<1x4096xi32>
    %add3A_89 = arith.addi %mul3A_86, %add3A_88 : vector<1x4096xi32>
    %shift_left3A_90 = arith.constant 1 : i32
    %shift_left3A_91 = vector.broadcast %shift_left3A_90 : i32 to vector<1x4096xi32>
    %shift_left3A_92 = arith.shli %shift_left3A_91, %add3A_89 : vector<1x4096xi32>
    %ge3A_93 = arith.cmpi sge, %mul3A_83, %shift_left3A_92 : vector<1x4096xi32>
    %jit3A_94 = arith.constant 1 : i32
    %jit3A_95 = arith.constant 0 : i32
    %broadcast_in_dim3A_96 = vector.broadcast %jit3A_94 : i32 to vector<1x4096xi32>
    %broadcast_in_dim3A_97 = vector.broadcast %jit3A_95 : i32 to vector<1x4096xi32>
    %select_n3A_98 = arith.select %ge3A_93, %broadcast_in_dim3A_96, %broadcast_in_dim3A_97 : vector<1x4096xi1>, vector<1x4096xi32>
    %add3A_99 = arith.addi %mul3A_82, %select_n3A_98 : vector<1x4096xi32>
    %add3A_100 = arith.constant 2 : i32
    %add3A_101 = vector.broadcast %add3A_100 : i32 to vector<1x4096xi32>
    %add3A_102 = arith.addi %add3A_99, %add3A_101 : vector<1x4096xi32>
    %min3A_103 = arith.constant 15 : i32
    %min3A_104 = vector.broadcast %min3A_103 : i32 to vector<1x4096xi32>
    %min3A_105 = arith.minsi %add3A_102, %min3A_104 : vector<1x4096xi32>
    %lt3A_106 = arith.constant 8 : i32
    %lt3A_107 = vector.broadcast %lt3A_106 : i32 to vector<1x4096xi32>
    %lt3A_108 = arith.cmpi slt, %abs3A_68, %lt3A_107 : vector<1x4096xi32>
    %select_n3A_109 = arith.select %lt3A_108, %abs3A_68, %min3A_105 : vector<1x4096xi1>, vector<1x4096xi32>
    %add3A_110 = arith.addi %select_n3A_109, %select_n3A_67 : vector<1x4096xi32>
    %iota3A_111 = tpu.iota {dimensions = array<i32: 0>} : vector<32x4096xi32>
    %eq3A_112 = vector.broadcast %add3A_110 : vector<1x4096xi32> to vector<32x4096xi32>
    %eq3A_113 = arith.cmpi eq, %iota3A_111, %eq3A_112 : vector<32x4096xi32>
    %convert_element_type3A_114 = arith.extui %eq3A_113 : vector<32x4096xi1> to vector<32x4096xi32>
    %convert_element_type3A_115 = arith.sitofp %convert_element_type3A_114 : vector<32x4096xi32> to vector<32x4096xf32>
    %get3A_116 = arith.constant 0 : index
    %get3A_117 = arith.constant 0 : index
    %get3A_118 = vector.load %arg0[%get3A_116, %get3A_117] : memref<16x32xf32, #tpu.memory_space<vmem>>, vector<16x32xf32>
    %dot_general3A_119 = arith.constant dense<0.000000e+00> : vector<16x4096xf32>
    %dot_general3A_120 = tpu.matmul %get3A_118, %convert_element_type3A_115, %dot_general3A_119 {dimension_numbers = #tpu.dot_dimension_numbers<[1], [0], [0], [1], [0, 0, 1, 1], [], []>, precision = #tpu.contract_precision<fp32>, transpose_lhs_hint = false} : vector<16x32xf32>, vector<32x4096xf32>, vector<16x4096xf32> -> vector<16x4096xf32>
    %swap3A_121 = arith.constant 0 : index
    %swap3A_122 = arith.constant 1 : index
    %swap3A_123 = arith.constant 0 : index
    %swap3A_124 = vector.load %arg1[%swap3A_121, %swap3A_122, %swap3A_123] : memref<16x8x4096xf32, #tpu.memory_space<vmem>>, vector<16x1x4096xf32>
    %swap3A_125 = vector.shape_cast %swap3A_124 : vector<16x1x4096xf32> to vector<16x4096xf32>
    %swap3A_126 = vector.shape_cast %dot_general3A_120 : vector<16x4096xf32> to vector<16x1x4096xf32>
    tpu.vector_store %arg1[%swap3A_121, %swap3A_122, %swap3A_123], %swap3A_126 {strides = array<i32>} : memref<16x8x4096xf32, #tpu.memory_space<vmem>>, vector<16x1x4096xf32>,
    %iota3A_127 = tpu.iota {dimensions = array<i32: 1>} : vector<1x4096xi32>
    %sub3A_128 = arith.constant 2 : i32
    %sub3A_129 = vector.broadcast %sub3A_128 : i32 to vector<1x4096xi32>
    %sub3A_130 = arith.subi %iota3A_127, %sub3A_129 : vector<1x4096xi32>
    %sub3A_131 = arith.constant 2040 : i32
    %sub3A_132 = vector.broadcast %sub3A_131 : i32 to vector<1x4096xi32>
    %sub3A_133 = arith.subi %sub3A_130, %sub3A_132 : vector<1x4096xi32>
    %gt3A_134 = arith.constant 0 : i32
    %gt3A_135 = vector.broadcast %gt3A_134 : i32 to vector<1x4096xi32>
    %gt3A_136 = arith.cmpi sgt, %sub3A_133, %gt3A_135 : vector<1x4096xi32>
    %jit3A_137 = arith.constant 16 : i32
    %jit3A_138 = arith.constant 0 : i32
    %broadcast_in_dim3A_139 = vector.broadcast %jit3A_137 : i32 to vector<1x4096xi32>
    %broadcast_in_dim3A_140 = vector.broadcast %jit3A_138 : i32 to vector<1x4096xi32>
    %select_n3A_141 = arith.select %gt3A_136, %broadcast_in_dim3A_139, %broadcast_in_dim3A_140 : vector<1x4096xi1>, vector<1x4096xi32>
    %abs3A_142 = math.absi %sub3A_133 : vector<1x4096xi32>
    %max3A_143 = arith.constant 1 : i32
    %max3A_144 = vector.broadcast %max3A_143 : i32 to vector<1x4096xi32>
    %max3A_145 = arith.maxsi %abs3A_142, %max3A_144 : vector<1x4096xi32>
    %convert_element_type3A_146 = arith.sitofp %max3A_145 : vector<1x4096xi32> to vector<1x4096xf32>
    %bitcast_convert_type3A_147 = tpu.bitcast %convert_element_type3A_146 : vector<1x4096xf32> -> vector<1x4096xi32>
    %shift_right_arithmetic3A_148 = arith.constant 23 : i32
    %shift_right_arithmetic3A_149 = vector.broadcast %shift_right_arithmetic3A_148 : i32 to vector<1x4096xi32>
    %shift_right_arithmetic3A_150 = arith.shrsi %bitcast_convert_type3A_147, %shift_right_arithmetic3A_149 : vector<1x4096xi32>
    %sub3A_151 = arith.constant 127 : i32
    %sub3A_152 = vector.broadcast %sub3A_151 : i32 to vector<1x4096xi32>
    %sub3A_153 = arith.subi %shift_right_arithmetic3A_150, %sub3A_152 : vector<1x4096xi32>
    %mul3A_154 = arith.constant 2 : i32
    %mul3A_155 = vector.broadcast %mul3A_154 : i32 to vector<1x4096xi32>
    %mul3A_156 = arith.muli %mul3A_155, %sub3A_153 : vector<1x4096xi32>
    %mul3A_157 = arith.muli %max3A_145, %max3A_145 : vector<1x4096xi32>
    %mul3A_158 = arith.constant 2 : i32
    %mul3A_159 = vector.broadcast %mul3A_158 : i32 to vector<1x4096xi32>
    %mul3A_160 = arith.muli %mul3A_159, %sub3A_153 : vector<1x4096xi32>
    %add3A_161 = arith.constant 1 : i32
    %add3A_162 = vector.broadcast %add3A_161 : i32 to vector<1x4096xi32>
    %add3A_163 = arith.addi %mul3A_160, %add3A_162 : vector<1x4096xi32>
    %shift_left3A_164 = arith.constant 1 : i32
    %shift_left3A_165 = vector.broadcast %shift_left3A_164 : i32 to vector<1x4096xi32>
    %shift_left3A_166 = arith.shli %shift_left3A_165, %add3A_163 : vector<1x4096xi32>
    %ge3A_167 = arith.cmpi sge, %mul3A_157, %shift_left3A_166 : vector<1x4096xi32>
    %jit3A_168 = arith.constant 1 : i32
    %jit3A_169 = arith.constant 0 : i32
    %broadcast_in_dim3A_170 = vector.broadcast %jit3A_168 : i32 to vector<1x4096xi32>
    %broadcast_in_dim3A_171 = vector.broadcast %jit3A_169 : i32 to vector<1x4096xi32>
    %select_n3A_172 = arith.select %ge3A_167, %broadcast_in_dim3A_170, %broadcast_in_dim3A_171 : vector<1x4096xi1>, vector<1x4096xi32>
    %add3A_173 = arith.addi %mul3A_156, %select_n3A_172 : vector<1x4096xi32>
    %add3A_174 = arith.constant 2 : i32
    %add3A_175 = vector.broadcast %add3A_174 : i32 to vector<1x4096xi32>
    %add3A_176 = arith.addi %add3A_173, %add3A_175 : vector<1x4096xi32>
    %min3A_177 = arith.constant 15 : i32
    %min3A_178 = vector.broadcast %min3A_177 : i32 to vector<1x4096xi32>
    %min3A_179 = arith.minsi %add3A_176, %min3A_178 : vector<1x4096xi32>
    %lt3A_180 = arith.constant 8 : i32
    %lt3A_181 = vector.broadcast %lt3A_180 : i32 to vector<1x4096xi32>
    %lt3A_182 = arith.cmpi slt, %abs3A_142, %lt3A_181 : vector<1x4096xi32>
    %select_n3A_183 = arith.select %lt3A_182, %abs3A_142, %min3A_179 : vector<1x4096xi1>, vector<1x4096xi32>
    %add3A_184 = arith.addi %select_n3A_183, %select_n3A_141 : vector<1x4096xi32>
    %iota3A_185 = tpu.iota {dimensions = array<i32: 0>} : vector<32x4096xi32>
    %eq3A_186 = vector.broadcast %add3A_184 : vector<1x4096xi32> to vector<32x4096xi32>
    %eq3A_187 = arith.cmpi eq, %iota3A_185, %eq3A_186 : vector<32x4096xi32>
    %convert_element_type3A_188 = arith.extui %eq3A_187 : vector<32x4096xi1> to vector<32x4096xi32>
    %convert_element_type3A_189 = arith.sitofp %convert_element_type3A_188 : vector<32x4096xi32> to vector<32x4096xf32>
    %get3A_190 = arith.constant 0 : index
    %get3A_191 = arith.constant 0 : index
    %get3A_192 = vector.load %arg0[%get3A_190, %get3A_191] : memref<16x32xf32, #tpu.memory_space<vmem>>, vector<16x32xf32>
    %dot_general3A_193 = arith.constant dense<0.000000e+00> : vector<16x4096xf32>
    %dot_general3A_194 = tpu.matmul %get3A_192, %convert_element_type3A_189, %dot_general3A_193 {dimension_numbers = #tpu.dot_dimension_numbers<[1], [0], [0], [1], [0, 0, 1, 1], [], []>, precision = #tpu.contract_precision<fp32>, transpose_lhs_hint = false} : vector<16x32xf32>, vector<32x4096xf32>, vector<16x4096xf32> -> vector<16x4096xf32>
    %swap3A_195 = arith.constant 0 : index
    %swap3A_196 = arith.constant 2 : index
    %swap3A_197 = arith.constant 0 : index
    %swap3A_198 = vector.load %arg1[%swap3A_195, %swap3A_196, %swap3A_197] : memref<16x8x4096xf32, #tpu.memory_space<vmem>>, vector<16x1x4096xf32>
    %swap3A_199 = vector.shape_cast %swap3A_198 : vector<16x1x4096xf32> to vector<16x4096xf32>
    %swap3A_200 = vector.shape_cast %dot_general3A_194 : vector<16x4096xf32> to vector<16x1x4096xf32>
    tpu.vector_store %arg1[%swap3A_195, %swap3A_196, %swap3A_197], %swap3A_200 {strides = array<i32>} : memref<16x8x4096xf32, #tpu.memory_space<vmem>>, vector<16x1x4096xf32>,
    %iota3A_201 = tpu.iota {dimensions = array<i32: 1>} : vector<1x4096xi32>
    %sub3A_202 = arith.constant 3 : i32
    %sub3A_203 = vector.broadcast %sub3A_202 : i32 to vector<1x4096xi32>
    %sub3A_204 = arith.subi %iota3A_201, %sub3A_203 : vector<1x4096xi32>
    %sub3A_205 = arith.constant 2040 : i32
    %sub3A_206 = vector.broadcast %sub3A_205 : i32 to vector<1x4096xi32>
    %sub3A_207 = arith.subi %sub3A_204, %sub3A_206 : vector<1x4096xi32>
    %gt3A_208 = arith.constant 0 : i32
    %gt3A_209 = vector.broadcast %gt3A_208 : i32 to vector<1x4096xi32>
    %gt3A_210 = arith.cmpi sgt, %sub3A_207, %gt3A_209 : vector<1x4096xi32>
    %jit3A_211 = arith.constant 16 : i32
    %jit3A_212 = arith.constant 0 : i32
    %broadcast_in_dim3A_213 = vector.broadcast %jit3A_211 : i32 to vector<1x4096xi32>
    %broadcast_in_dim3A_214 = vector.broadcast %jit3A_212 : i32 to vector<1x4096xi32>
    %select_n3A_215 = arith.select %gt3A_210, %broadcast_in_dim3A_213, %broadcast_in_dim3A_214 : vector<1x4096xi1>, vector<1x4096xi32>
    %abs3A_216 = math.absi %sub3A_207 : vector<1x4096xi32>
    %max3A_217 = arith.constant 1 : i32
    %max3A_218 = vector.broadcast %max3A_217 : i32 to vector<1x4096xi32>
    %max3A_219 = arith.maxsi %abs3A_216, %max3A_218 : vector<1x4096xi32>
    %convert_element_type3A_220 = arith.sitofp %max3A_219 : vector<1x4096xi32> to vector<1x4096xf32>
    %bitcast_convert_type3A_221 = tpu.bitcast %convert_element_type3A_220 : vector<1x4096xf32> -> vector<1x4096xi32>
    %shift_right_arithmetic3A_222 = arith.constant 23 : i32
    %shift_right_arithmetic3A_223 = vector.broadcast %shift_right_arithmetic3A_222 : i32 to vector<1x4096xi32>
    %shift_right_arithmetic3A_224 = arith.shrsi %bitcast_convert_type3A_221, %shift_right_arithmetic3A_223 : vector<1x4096xi32>
    %sub3A_225 = arith.constant 127 : i32
    %sub3A_226 = vector.broadcast %sub3A_225 : i32 to vector<1x4096xi32>
    %sub3A_227 = arith.subi %shift_right_arithmetic3A_224, %sub3A_226 : vector<1x4096xi32>
    %mul3A_228 = arith.constant 2 : i32
    %mul3A_229 = vector.broadcast %mul3A_228 : i32 to vector<1x4096xi32>
    %mul3A_230 = arith.muli %mul3A_229, %sub3A_227 : vector<1x4096xi32>
    %mul3A_231 = arith.muli %max3A_219, %max3A_219 : vector<1x4096xi32>
    %mul3A_232 = arith.constant 2 : i32
    %mul3A_233 = vector.broadcast %mul3A_232 : i32 to vector<1x4096xi32>
    %mul3A_234 = arith.muli %mul3A_233, %sub3A_227 : vector<1x4096xi32>
    %add3A_235 = arith.constant 1 : i32
    %add3A_236 = vector.broadcast %add3A_235 : i32 to vector<1x4096xi32>
    %add3A_237 = arith.addi %mul3A_234, %add3A_236 : vector<1x4096xi32>
    %shift_left3A_238 = arith.constant 1 : i32
    %shift_left3A_239 = vector.broadcast %shift_left3A_238 : i32 to vector<1x4096xi32>
    %shift_left3A_240 = arith.shli %shift_left3A_239, %add3A_237 : vector<1x4096xi32>
    %ge3A_241 = arith.cmpi sge, %mul3A_231, %shift_left3A_240 : vector<1x4096xi32>
    %jit3A_242 = arith.constant 1 : i32
    %jit3A_243 = arith.constant 0 : i32
    %broadcast_in_dim3A_244 = vector.broadcast %jit3A_242 : i32 to vector<1x4096xi32>
    %broadcast_in_dim3A_245 = vector.broadcast %jit3A_243 : i32 to vector<1x4096xi32>
    %select_n3A_246 = arith.select %ge3A_241, %broadcast_in_dim3A_244, %broadcast_in_dim3A_245 : vector<1x4096xi1>, vector<1x4096xi32>
    %add3A_247 = arith.addi %mul3A_230, %select_n3A_246 : vector<1x4096xi32>
    %add3A_248 = arith.constant 2 : i32
    %add3A_249 = vector.broadcast %add3A_248 : i32 to vector<1x4096xi32>
    %add3A_250 = arith.addi %add3A_247, %add3A_249 : vector<1x4096xi32>
    %min3A_251 = arith.constant 15 : i32
    %min3A_252 = vector.broadcast %min3A_251 : i32 to vector<1x4096xi32>
    %min3A_253 = arith.minsi %add3A_250, %min3A_252 : vector<1x4096xi32>
    %lt3A_254 = arith.constant 8 : i32
    %lt3A_255 = vector.broadcast %lt3A_254 : i32 to vector<1x4096xi32>
    %lt3A_256 = arith.cmpi slt, %abs3A_216, %lt3A_255 : vector<1x4096xi32>
    %select_n3A_257 = arith.select %lt3A_256, %abs3A_216, %min3A_253 : vector<1x4096xi1>, vector<1x4096xi32>
    %add3A_258 = arith.addi %select_n3A_257, %select_n3A_215 : vector<1x4096xi32>
    %iota3A_259 = tpu.iota {dimensions = array<i32: 0>} : vector<32x4096xi32>
    %eq3A_260 = vector.broadcast %add3A_258 : vector<1x4096xi32> to vector<32x4096xi32>
    %eq3A_261 = arith.cmpi eq, %iota3A_259, %eq3A_260 : vector<32x4096xi32>
    %convert_element_type3A_262 = arith.extui %eq3A_261 : vector<32x4096xi1> to vector<32x4096xi32>
    %convert_element_type3A_263 = arith.sitofp %convert_element_type3A_262 : vector<32x4096xi32> to vector<32x4096xf32>
    %get3A_264 = arith.constant 0 : index
    %get3A_265 = arith.constant 0 : index
    %get3A_266 = vector.load %arg0[%get3A_264, %get3A_265] : memref<16x32xf32, #tpu.memory_space<vmem>>, vector<16x32xf32>
    %dot_general3A_267 = arith.constant dense<0.000000e+00> : vector<16x4096xf32>
    %dot_general3A_268 = tpu.matmul %get3A_266, %convert_element_type3A_263, %dot_general3A_267 {dimension_numbers = #tpu.dot_dimension_numbers<[1], [0], [0], [1], [0, 0, 1, 1], [], []>, precision = #tpu.contract_precision<fp32>, transpose_lhs_hint = false} : vector<16x32xf32>, vector<32x4096xf32>, vector<16x4096xf32> -> vector<16x4096xf32>
    %swap3A_269 = arith.constant 0 : index
    %swap3A_270 = arith.constant 3 : index
    %swap3A_271 = arith.constant 0 : index
    %swap3A_272 = vector.load %arg1[%swap3A_269, %swap3A_270, %swap3A_271] : memref<16x8x4096xf32, #tpu.memory_space<vmem>>, vector<16x1x4096xf32>
    %swap3A_273 = vector.shape_cast %swap3A_272 : vector<16x1x4096xf32> to vector<16x4096xf32>
    %swap3A_274 = vector.shape_cast %dot_general3A_268 : vector<16x4096xf32> to vector<16x1x4096xf32>
    tpu.vector_store %arg1[%swap3A_269, %swap3A_270, %swap3A_271], %swap3A_274 {strides = array<i32>} : memref<16x8x4096xf32, #tpu.memory_space<vmem>>, vector<16x1x4096xf32>,
    %iota3A_275 = tpu.iota {dimensions = array<i32: 1>} : vector<1x4096xi32>
    %sub3A_276 = arith.constant 4 : i32
    %sub3A_277 = vector.broadcast %sub3A_276 : i32 to vector<1x4096xi32>
    %sub3A_278 = arith.subi %iota3A_275, %sub3A_277 : vector<1x4096xi32>
    %sub3A_279 = arith.constant 2040 : i32
    %sub3A_280 = vector.broadcast %sub3A_279 : i32 to vector<1x4096xi32>
    %sub3A_281 = arith.subi %sub3A_278, %sub3A_280 : vector<1x4096xi32>
    %gt3A_282 = arith.constant 0 : i32
    %gt3A_283 = vector.broadcast %gt3A_282 : i32 to vector<1x4096xi32>
    %gt3A_284 = arith.cmpi sgt, %sub3A_281, %gt3A_283 : vector<1x4096xi32>
    %jit3A_285 = arith.constant 16 : i32
    %jit3A_286 = arith.constant 0 : i32
    %broadcast_in_dim3A_287 = vector.broadcast %jit3A_285 : i32 to vector<1x4096xi32>
    %broadcast_in_dim3A_288 = vector.broadcast %jit3A_286 : i32 to vector<1x4096xi32>
    %select_n3A_289 = arith.select %gt3A_284, %broadcast_in_dim3A_287, %broadcast_in_dim3A_288 : vector<1x4096xi1>, vector<1x4096xi32>
    %abs3A_290 = math.absi %sub3A_281 : vector<1x4096xi32>
    %max3A_291 = arith.constant 1 : i32
    %max3A_292 = vector.broadcast %max3A_291 : i32 to vector<1x4096xi32>
    %max3A_293 = arith.maxsi %abs3A_290, %max3A_292 : vector<1x4096xi32>
    %convert_element_type3A_294 = arith.sitofp %max3A_293 : vector<1x4096xi32> to vector<1x4096xf32>
    %bitcast_convert_type3A_295 = tpu.bitcast %convert_element_type3A_294 : vector<1x4096xf32> -> vector<1x4096xi32>
    %shift_right_arithmetic3A_296 = arith.constant 23 : i32
    %shift_right_arithmetic3A_297 = vector.broadcast %shift_right_arithmetic3A_296 : i32 to vector<1x4096xi32>
    %shift_right_arithmetic3A_298 = arith.shrsi %bitcast_convert_type3A_295, %shift_right_arithmetic3A_297 : vector<1x4096xi32>
    %sub3A_299 = arith.constant 127 : i32
    %sub3A_300 = vector.broadcast %sub3A_299 : i32 to vector<1x4096xi32>
    %sub3A_301 = arith.subi %shift_right_arithmetic3A_298, %sub3A_300 : vector<1x4096xi32>
    %mul3A_302 = arith.constant 2 : i32
    %mul3A_303 = vector.broadcast %mul3A_302 : i32 to vector<1x4096xi32>
    %mul3A_304 = arith.muli %mul3A_303, %sub3A_301 : vector<1x4096xi32>
    %mul3A_305 = arith.muli %max3A_293, %max3A_293 : vector<1x4096xi32>
    %mul3A_306 = arith.constant 2 : i32
    %mul3A_307 = vector.broadcast %mul3A_306 : i32 to vector<1x4096xi32>
    %mul3A_308 = arith.muli %mul3A_307, %sub3A_301 : vector<1x4096xi32>
    %add3A_309 = arith.constant 1 : i32
    %add3A_310 = vector.broadcast %add3A_309 : i32 to vector<1x4096xi32>
    %add3A_311 = arith.addi %mul3A_308, %add3A_310 : vector<1x4096xi32>
    %shift_left3A_312 = arith.constant 1 : i32
    %shift_left3A_313 = vector.broadcast %shift_left3A_312 : i32 to vector<1x4096xi32>
    %shift_left3A_314 = arith.shli %shift_left3A_313, %add3A_311 : vector<1x4096xi32>
    %ge3A_315 = arith.cmpi sge, %mul3A_305, %shift_left3A_314 : vector<1x4096xi32>
    %jit3A_316 = arith.constant 1 : i32
    %jit3A_317 = arith.constant 0 : i32
    %broadcast_in_dim3A_318 = vector.broadcast %jit3A_316 : i32 to vector<1x4096xi32>
    %broadcast_in_dim3A_319 = vector.broadcast %jit3A_317 : i32 to vector<1x4096xi32>
    %select_n3A_320 = arith.select %ge3A_315, %broadcast_in_dim3A_318, %broadcast_in_dim3A_319 : vector<1x4096xi1>, vector<1x4096xi32>
    %add3A_321 = arith.addi %mul3A_304, %select_n3A_320 : vector<1x4096xi32>
    %add3A_322 = arith.constant 2 : i32
    %add3A_323 = vector.broadcast %add3A_322 : i32 to vector<1x4096xi32>
    %add3A_324 = arith.addi %add3A_321, %add3A_323 : vector<1x4096xi32>
    %min3A_325 = arith.constant 15 : i32
    %min3A_326 = vector.broadcast %min3A_325 : i32 to vector<1x4096xi32>
    %min3A_327 = arith.minsi %add3A_324, %min3A_326 : vector<1x4096xi32>
    %lt3A_328 = arith.constant 8 : i32
    %lt3A_329 = vector.broadcast %lt3A_328 : i32 to vector<1x4096xi32>
    %lt3A_330 = arith.cmpi slt, %abs3A_290, %lt3A_329 : vector<1x4096xi32>
    %select_n3A_331 = arith.select %lt3A_330, %abs3A_290, %min3A_327 : vector<1x4096xi1>, vector<1x4096xi32>
    %add3A_332 = arith.addi %select_n3A_331, %select_n3A_289 : vector<1x4096xi32>
    %iota3A_333 = tpu.iota {dimensions = array<i32: 0>} : vector<32x4096xi32>
    %eq3A_334 = vector.broadcast %add3A_332 : vector<1x4096xi32> to vector<32x4096xi32>
    %eq3A_335 = arith.cmpi eq, %iota3A_333, %eq3A_334 : vector<32x4096xi32>
    %convert_element_type3A_336 = arith.extui %eq3A_335 : vector<32x4096xi1> to vector<32x4096xi32>
    %convert_element_type3A_337 = arith.sitofp %convert_element_type3A_336 : vector<32x4096xi32> to vector<32x4096xf32>
    %get3A_338 = arith.constant 0 : index
    %get3A_339 = arith.constant 0 : index
    %get3A_340 = vector.load %arg0[%get3A_338, %get3A_339] : memref<16x32xf32, #tpu.memory_space<vmem>>, vector<16x32xf32>
    %dot_general3A_341 = arith.constant dense<0.000000e+00> : vector<16x4096xf32>
    %dot_general3A_342 = tpu.matmul %get3A_340, %convert_element_type3A_337, %dot_general3A_341 {dimension_numbers = #tpu.dot_dimension_numbers<[1], [0], [0], [1], [0, 0, 1, 1], [], []>, precision = #tpu.contract_precision<fp32>, transpose_lhs_hint = false} : vector<16x32xf32>, vector<32x4096xf32>, vector<16x4096xf32> -> vector<16x4096xf32>
    %swap3A_343 = arith.constant 0 : index
    %swap3A_344 = arith.constant 4 : index
    %swap3A_345 = arith.constant 0 : index
    %swap3A_346 = vector.load %arg1[%swap3A_343, %swap3A_344, %swap3A_345] : memref<16x8x4096xf32, #tpu.memory_space<vmem>>, vector<16x1x4096xf32>
    %swap3A_347 = vector.shape_cast %swap3A_346 : vector<16x1x4096xf32> to vector<16x4096xf32>
    %swap3A_348 = vector.shape_cast %dot_general3A_342 : vector<16x4096xf32> to vector<16x1x4096xf32>
    tpu.vector_store %arg1[%swap3A_343, %swap3A_344, %swap3A_345], %swap3A_348 {strides = array<i32>} : memref<16x8x4096xf32, #tpu.memory_space<vmem>>, vector<16x1x4096xf32>,
    %iota3A_349 = tpu.iota {dimensions = array<i32: 1>} : vector<1x4096xi32>
    %sub3A_350 = arith.constant 5 : i32
    %sub3A_351 = vector.broadcast %sub3A_350 : i32 to vector<1x4096xi32>
    %sub3A_352 = arith.subi %iota3A_349, %sub3A_351 : vector<1x4096xi32>
    %sub3A_353 = arith.constant 2040 : i32
    %sub3A_354 = vector.broadcast %sub3A_353 : i32 to vector<1x4096xi32>
    %sub3A_355 = arith.subi %sub3A_352, %sub3A_354 : vector<1x4096xi32>
    %gt3A_356 = arith.constant 0 : i32
    %gt3A_357 = vector.broadcast %gt3A_356 : i32 to vector<1x4096xi32>
    %gt3A_358 = arith.cmpi sgt, %sub3A_355, %gt3A_357 : vector<1x4096xi32>
    %jit3A_359 = arith.constant 16 : i32
    %jit3A_360 = arith.constant 0 : i32
    %broadcast_in_dim3A_361 = vector.broadcast %jit3A_359 : i32 to vector<1x4096xi32>
    %broadcast_in_dim3A_362 = vector.broadcast %jit3A_360 : i32 to vector<1x4096xi32>
    %select_n3A_363 = arith.select %gt3A_358, %broadcast_in_dim3A_361, %broadcast_in_dim3A_362 : vector<1x4096xi1>, vector<1x4096xi32>
    %abs3A_364 = math.absi %sub3A_355 : vector<1x4096xi32>
    %max3A_365 = arith.constant 1 : i32
    %max3A_366 = vector.broadcast %max3A_365 : i32 to vector<1x4096xi32>
    %max3A_367 = arith.maxsi %abs3A_364, %max3A_366 : vector<1x4096xi32>
    %convert_element_type3A_368 = arith.sitofp %max3A_367 : vector<1x4096xi32> to vector<1x4096xf32>
    %bitcast_convert_type3A_369 = tpu.bitcast %convert_element_type3A_368 : vector<1x4096xf32> -> vector<1x4096xi32>
    %shift_right_arithmetic3A_370 = arith.constant 23 : i32
    %shift_right_arithmetic3A_371 = vector.broadcast %shift_right_arithmetic3A_370 : i32 to vector<1x4096xi32>
    %shift_right_arithmetic3A_372 = arith.shrsi %bitcast_convert_type3A_369, %shift_right_arithmetic3A_371 : vector<1x4096xi32>
    %sub3A_373 = arith.constant 127 : i32
    %sub3A_374 = vector.broadcast %sub3A_373 : i32 to vector<1x4096xi32>
    %sub3A_375 = arith.subi %shift_right_arithmetic3A_372, %sub3A_374 : vector<1x4096xi32>
    %mul3A_376 = arith.constant 2 : i32
    %mul3A_377 = vector.broadcast %mul3A_376 : i32 to vector<1x4096xi32>
    %mul3A_378 = arith.muli %mul3A_377, %sub3A_375 : vector<1x4096xi32>
    %mul3A_379 = arith.muli %max3A_367, %max3A_367 : vector<1x4096xi32>
    %mul3A_380 = arith.constant 2 : i32
    %mul3A_381 = vector.broadcast %mul3A_380 : i32 to vector<1x4096xi32>
    %mul3A_382 = arith.muli %mul3A_381, %sub3A_375 : vector<1x4096xi32>
    %add3A_383 = arith.constant 1 : i32
    %add3A_384 = vector.broadcast %add3A_383 : i32 to vector<1x4096xi32>
    %add3A_385 = arith.addi %mul3A_382, %add3A_384 : vector<1x4096xi32>
    %shift_left3A_386 = arith.constant 1 : i32
    %shift_left3A_387 = vector.broadcast %shift_left3A_386 : i32 to vector<1x4096xi32>
    %shift_left3A_388 = arith.shli %shift_left3A_387, %add3A_385 : vector<1x4096xi32>
    %ge3A_389 = arith.cmpi sge, %mul3A_379, %shift_left3A_388 : vector<1x4096xi32>
    %jit3A_390 = arith.constant 1 : i32
    %jit3A_391 = arith.constant 0 : i32
    %broadcast_in_dim3A_392 = vector.broadcast %jit3A_390 : i32 to vector<1x4096xi32>
    %broadcast_in_dim3A_393 = vector.broadcast %jit3A_391 : i32 to vector<1x4096xi32>
    %select_n3A_394 = arith.select %ge3A_389, %broadcast_in_dim3A_392, %broadcast_in_dim3A_393 : vector<1x4096xi1>, vector<1x4096xi32>
    %add3A_395 = arith.addi %mul3A_378, %select_n3A_394 : vector<1x4096xi32>
    %add3A_396 = arith.constant 2 : i32
    %add3A_397 = vector.broadcast %add3A_396 : i32 to vector<1x4096xi32>
    %add3A_398 = arith.addi %add3A_395, %add3A_397 : vector<1x4096xi32>
    %min3A_399 = arith.constant 15 : i32
    %min3A_400 = vector.broadcast %min3A_399 : i32 to vector<1x4096xi32>
    %min3A_401 = arith.minsi %add3A_398, %min3A_400 : vector<1x4096xi32>
    %lt3A_402 = arith.constant 8 : i32
    %lt3A_403 = vector.broadcast %lt3A_402 : i32 to vector<1x4096xi32>
    %lt3A_404 = arith.cmpi slt, %abs3A_364, %lt3A_403 : vector<1x4096xi32>
    %select_n3A_405 = arith.select %lt3A_404, %abs3A_364, %min3A_401 : vector<1x4096xi1>, vector<1x4096xi32>
    %add3A_406 = arith.addi %select_n3A_405, %select_n3A_363 : vector<1x4096xi32>
    %iota3A_407 = tpu.iota {dimensions = array<i32: 0>} : vector<32x4096xi32>
    %eq3A_408 = vector.broadcast %add3A_406 : vector<1x4096xi32> to vector<32x4096xi32>
    %eq3A_409 = arith.cmpi eq, %iota3A_407, %eq3A_408 : vector<32x4096xi32>
    %convert_element_type3A_410 = arith.extui %eq3A_409 : vector<32x4096xi1> to vector<32x4096xi32>
    %convert_element_type3A_411 = arith.sitofp %convert_element_type3A_410 : vector<32x4096xi32> to vector<32x4096xf32>
    %get3A_412 = arith.constant 0 : index
    %get3A_413 = arith.constant 0 : index
    %get3A_414 = vector.load %arg0[%get3A_412, %get3A_413] : memref<16x32xf32, #tpu.memory_space<vmem>>, vector<16x32xf32>
    %dot_general3A_415 = arith.constant dense<0.000000e+00> : vector<16x4096xf32>
    %dot_general3A_416 = tpu.matmul %get3A_414, %convert_element_type3A_411, %dot_general3A_415 {dimension_numbers = #tpu.dot_dimension_numbers<[1], [0], [0], [1], [0, 0, 1, 1], [], []>, precision = #tpu.contract_precision<fp32>, transpose_lhs_hint = false} : vector<16x32xf32>, vector<32x4096xf32>, vector<16x4096xf32> -> vector<16x4096xf32>
    %swap3A_417 = arith.constant 0 : index
    %swap3A_418 = arith.constant 5 : index
    %swap3A_419 = arith.constant 0 : index
    %swap3A_420 = vector.load %arg1[%swap3A_417, %swap3A_418, %swap3A_419] : memref<16x8x4096xf32, #tpu.memory_space<vmem>>, vector<16x1x4096xf32>
    %swap3A_421 = vector.shape_cast %swap3A_420 : vector<16x1x4096xf32> to vector<16x4096xf32>
    %swap3A_422 = vector.shape_cast %dot_general3A_416 : vector<16x4096xf32> to vector<16x1x4096xf32>
    tpu.vector_store %arg1[%swap3A_417, %swap3A_418, %swap3A_419], %swap3A_422 {strides = array<i32>} : memref<16x8x4096xf32, #tpu.memory_space<vmem>>, vector<16x1x4096xf32>,
    %iota3A_423 = tpu.iota {dimensions = array<i32: 1>} : vector<1x4096xi32>
    %sub3A_424 = arith.constant 6 : i32
    %sub3A_425 = vector.broadcast %sub3A_424 : i32 to vector<1x4096xi32>
    %sub3A_426 = arith.subi %iota3A_423, %sub3A_425 : vector<1x4096xi32>
    %sub3A_427 = arith.constant 2040 : i32
    %sub3A_428 = vector.broadcast %sub3A_427 : i32 to vector<1x4096xi32>
    %sub3A_429 = arith.subi %sub3A_426, %sub3A_428 : vector<1x4096xi32>
    %gt3A_430 = arith.constant 0 : i32
    %gt3A_431 = vector.broadcast %gt3A_430 : i32 to vector<1x4096xi32>
    %gt3A_432 = arith.cmpi sgt, %sub3A_429, %gt3A_431 : vector<1x4096xi32>
    %jit3A_433 = arith.constant 16 : i32
    %jit3A_434 = arith.constant 0 : i32
    %broadcast_in_dim3A_435 = vector.broadcast %jit3A_433 : i32 to vector<1x4096xi32>
    %broadcast_in_dim3A_436 = vector.broadcast %jit3A_434 : i32 to vector<1x4096xi32>
    %select_n3A_437 = arith.select %gt3A_432, %broadcast_in_dim3A_435, %broadcast_in_dim3A_436 : vector<1x4096xi1>, vector<1x4096xi32>
    %abs3A_438 = math.absi %sub3A_429 : vector<1x4096xi32>
    %max3A_439 = arith.constant 1 : i32
    %max3A_440 = vector.broadcast %max3A_439 : i32 to vector<1x4096xi32>
    %max3A_441 = arith.maxsi %abs3A_438, %max3A_440 : vector<1x4096xi32>
    %convert_element_type3A_442 = arith.sitofp %max3A_441 : vector<1x4096xi32> to vector<1x4096xf32>
    %bitcast_convert_type3A_443 = tpu.bitcast %convert_element_type3A_442 : vector<1x4096xf32> -> vector<1x4096xi32>
    %shift_right_arithmetic3A_444 = arith.constant 23 : i32
    %shift_right_arithmetic3A_445 = vector.broadcast %shift_right_arithmetic3A_444 : i32 to vector<1x4096xi32>
    %shift_right_arithmetic3A_446 = arith.shrsi %bitcast_convert_type3A_443, %shift_right_arithmetic3A_445 : vector<1x4096xi32>
    %sub3A_447 = arith.constant 127 : i32
    %sub3A_448 = vector.broadcast %sub3A_447 : i32 to vector<1x4096xi32>
    %sub3A_449 = arith.subi %shift_right_arithmetic3A_446, %sub3A_448 : vector<1x4096xi32>
    %mul3A_450 = arith.constant 2 : i32
    %mul3A_451 = vector.broadcast %mul3A_450 : i32 to vector<1x4096xi32>
    %mul3A_452 = arith.muli %mul3A_451, %sub3A_449 : vector<1x4096xi32>
    %mul3A_453 = arith.muli %max3A_441, %max3A_441 : vector<1x4096xi32>
    %mul3A_454 = arith.constant 2 : i32
    %mul3A_455 = vector.broadcast %mul3A_454 : i32 to vector<1x4096xi32>
    %mul3A_456 = arith.muli %mul3A_455, %sub3A_449 : vector<1x4096xi32>
    %add3A_457 = arith.constant 1 : i32
    %add3A_458 = vector.broadcast %add3A_457 : i32 to vector<1x4096xi32>
    %add3A_459 = arith.addi %mul3A_456, %add3A_458 : vector<1x4096xi32>
    %shift_left3A_460 = arith.constant 1 : i32
    %shift_left3A_461 = vector.broadcast %shift_left3A_460 : i32 to vector<1x4096xi32>
    %shift_left3A_462 = arith.shli %shift_left3A_461, %add3A_459 : vector<1x4096xi32>
    %ge3A_463 = arith.cmpi sge, %mul3A_453, %shift_left3A_462 : vector<1x4096xi32>
    %jit3A_464 = arith.constant 1 : i32
    %jit3A_465 = arith.constant 0 : i32
    %broadcast_in_dim3A_466 = vector.broadcast %jit3A_464 : i32 to vector<1x4096xi32>
    %broadcast_in_dim3A_467 = vector.broadcast %jit3A_465 : i32 to vector<1x4096xi32>
    %select_n3A_468 = arith.select %ge3A_463, %broadcast_in_dim3A_466, %broadcast_in_dim3A_467 : vector<1x4096xi1>, vector<1x4096xi32>
    %add3A_469 = arith.addi %mul3A_452, %select_n3A_468 : vector<1x4096xi32>
    %add3A_470 = arith.constant 2 : i32
    %add3A_471 = vector.broadcast %add3A_470 : i32 to vector<1x4096xi32>
    %add3A_472 = arith.addi %add3A_469, %add3A_471 : vector<1x4096xi32>
    %min3A_473 = arith.constant 15 : i32
    %min3A_474 = vector.broadcast %min3A_473 : i32 to vector<1x4096xi32>
    %min3A_475 = arith.minsi %add3A_472, %min3A_474 : vector<1x4096xi32>
    %lt3A_476 = arith.constant 8 : i32
    %lt3A_477 = vector.broadcast %lt3A_476 : i32 to vector<1x4096xi32>
    %lt3A_478 = arith.cmpi slt, %abs3A_438, %lt3A_477 : vector<1x4096xi32>
    %select_n3A_479 = arith.select %lt3A_478, %abs3A_438, %min3A_475 : vector<1x4096xi1>, vector<1x4096xi32>
    %add3A_480 = arith.addi %select_n3A_479, %select_n3A_437 : vector<1x4096xi32>
    %iota3A_481 = tpu.iota {dimensions = array<i32: 0>} : vector<32x4096xi32>
    %eq3A_482 = vector.broadcast %add3A_480 : vector<1x4096xi32> to vector<32x4096xi32>
    %eq3A_483 = arith.cmpi eq, %iota3A_481, %eq3A_482 : vector<32x4096xi32>
    %convert_element_type3A_484 = arith.extui %eq3A_483 : vector<32x4096xi1> to vector<32x4096xi32>
    %convert_element_type3A_485 = arith.sitofp %convert_element_type3A_484 : vector<32x4096xi32> to vector<32x4096xf32>
    %get3A_486 = arith.constant 0 : index
    %get3A_487 = arith.constant 0 : index
    %get3A_488 = vector.load %arg0[%get3A_486, %get3A_487] : memref<16x32xf32, #tpu.memory_space<vmem>>, vector<16x32xf32>
    %dot_general3A_489 = arith.constant dense<0.000000e+00> : vector<16x4096xf32>
    %dot_general3A_490 = tpu.matmul %get3A_488, %convert_element_type3A_485, %dot_general3A_489 {dimension_numbers = #tpu.dot_dimension_numbers<[1], [0], [0], [1], [0, 0, 1, 1], [], []>, precision = #tpu.contract_precision<fp32>, transpose_lhs_hint = false} : vector<16x32xf32>, vector<32x4096xf32>, vector<16x4096xf32> -> vector<16x4096xf32>
    %swap3A_491 = arith.constant 0 : index
    %swap3A_492 = arith.constant 6 : index
    %swap3A_493 = arith.constant 0 : index
    %swap3A_494 = vector.load %arg1[%swap3A_491, %swap3A_492, %swap3A_493] : memref<16x8x4096xf32, #tpu.memory_space<vmem>>, vector<16x1x4096xf32>
    %swap3A_495 = vector.shape_cast %swap3A_494 : vector<16x1x4096xf32> to vector<16x4096xf32>
    %swap3A_496 = vector.shape_cast %dot_general3A_490 : vector<16x4096xf32> to vector<16x1x4096xf32>
    tpu.vector_store %arg1[%swap3A_491, %swap3A_492, %swap3A_493], %swap3A_496 {strides = array<i32>} : memref<16x8x4096xf32, #tpu.memory_space<vmem>>, vector<16x1x4096xf32>,
    %iota3A_497 = tpu.iota {dimensions = array<i32: 1>} : vector<1x4096xi32>
    %sub3A_498 = arith.constant 7 : i32
    %sub3A_499 = vector.broadcast %sub3A_498 : i32 to vector<1x4096xi32>
    %sub3A_500 = arith.subi %iota3A_497, %sub3A_499 : vector<1x4096xi32>
    %sub3A_501 = arith.constant 2040 : i32
    %sub3A_502 = vector.broadcast %sub3A_501 : i32 to vector<1x4096xi32>
    %sub3A_503 = arith.subi %sub3A_500, %sub3A_502 : vector<1x4096xi32>
    %gt3A_504 = arith.constant 0 : i32
    %gt3A_505 = vector.broadcast %gt3A_504 : i32 to vector<1x4096xi32>
    %gt3A_506 = arith.cmpi sgt, %sub3A_503, %gt3A_505 : vector<1x4096xi32>
    %jit3A_507 = arith.constant 16 : i32
    %jit3A_508 = arith.constant 0 : i32
    %broadcast_in_dim3A_509 = vector.broadcast %jit3A_507 : i32 to vector<1x4096xi32>
    %broadcast_in_dim3A_510 = vector.broadcast %jit3A_508 : i32 to vector<1x4096xi32>
    %select_n3A_511 = arith.select %gt3A_506, %broadcast_in_dim3A_509, %broadcast_in_dim3A_510 : vector<1x4096xi1>, vector<1x4096xi32>
    %abs3A_512 = math.absi %sub3A_503 : vector<1x4096xi32>
    %max3A_513 = arith.constant 1 : i32
    %max3A_514 = vector.broadcast %max3A_513 : i32 to vector<1x4096xi32>
    %max3A_515 = arith.maxsi %abs3A_512, %max3A_514 : vector<1x4096xi32>
    %convert_element_type3A_516 = arith.sitofp %max3A_515 : vector<1x4096xi32> to vector<1x4096xf32>
    %bitcast_convert_type3A_517 = tpu.bitcast %convert_element_type3A_516 : vector<1x4096xf32> -> vector<1x4096xi32>
    %shift_right_arithmetic3A_518 = arith.constant 23 : i32
    %shift_right_arithmetic3A_519 = vector.broadcast %shift_right_arithmetic3A_518 : i32 to vector<1x4096xi32>
    %shift_right_arithmetic3A_520 = arith.shrsi %bitcast_convert_type3A_517, %shift_right_arithmetic3A_519 : vector<1x4096xi32>
    %sub3A_521 = arith.constant 127 : i32
    %sub3A_522 = vector.broadcast %sub3A_521 : i32 to vector<1x4096xi32>
    %sub3A_523 = arith.subi %shift_right_arithmetic3A_520, %sub3A_522 : vector<1x4096xi32>
    %mul3A_524 = arith.constant 2 : i32
    %mul3A_525 = vector.broadcast %mul3A_524 : i32 to vector<1x4096xi32>
    %mul3A_526 = arith.muli %mul3A_525, %sub3A_523 : vector<1x4096xi32>
    %mul3A_527 = arith.muli %max3A_515, %max3A_515 : vector<1x4096xi32>
    %mul3A_528 = arith.constant 2 : i32
    %mul3A_529 = vector.broadcast %mul3A_528 : i32 to vector<1x4096xi32>
    %mul3A_530 = arith.muli %mul3A_529, %sub3A_523 : vector<1x4096xi32>
    %add3A_531 = arith.constant 1 : i32
    %add3A_532 = vector.broadcast %add3A_531 : i32 to vector<1x4096xi32>
    %add3A_533 = arith.addi %mul3A_530, %add3A_532 : vector<1x4096xi32>
    %shift_left3A_534 = arith.constant 1 : i32
    %shift_left3A_535 = vector.broadcast %shift_left3A_534 : i32 to vector<1x4096xi32>
    %shift_left3A_536 = arith.shli %shift_left3A_535, %add3A_533 : vector<1x4096xi32>
    %ge3A_537 = arith.cmpi sge, %mul3A_527, %shift_left3A_536 : vector<1x4096xi32>
    %jit3A_538 = arith.constant 1 : i32
    %jit3A_539 = arith.constant 0 : i32
    %broadcast_in_dim3A_540 = vector.broadcast %jit3A_538 : i32 to vector<1x4096xi32>
    %broadcast_in_dim3A_541 = vector.broadcast %jit3A_539 : i32 to vector<1x4096xi32>
    %select_n3A_542 = arith.select %ge3A_537, %broadcast_in_dim3A_540, %broadcast_in_dim3A_541 : vector<1x4096xi1>, vector<1x4096xi32>
    %add3A_543 = arith.addi %mul3A_526, %select_n3A_542 : vector<1x4096xi32>
    %add3A_544 = arith.constant 2 : i32
    %add3A_545 = vector.broadcast %add3A_544 : i32 to vector<1x4096xi32>
    %add3A_546 = arith.addi %add3A_543, %add3A_545 : vector<1x4096xi32>
    %min3A_547 = arith.constant 15 : i32
    %min3A_548 = vector.broadcast %min3A_547 : i32 to vector<1x4096xi32>
    %min3A_549 = arith.minsi %add3A_546, %min3A_548 : vector<1x4096xi32>
    %lt3A_550 = arith.constant 8 : i32
    %lt3A_551 = vector.broadcast %lt3A_550 : i32 to vector<1x4096xi32>
    %lt3A_552 = arith.cmpi slt, %abs3A_512, %lt3A_551 : vector<1x4096xi32>
    %select_n3A_553 = arith.select %lt3A_552, %abs3A_512, %min3A_549 : vector<1x4096xi1>, vector<1x4096xi32>
    %add3A_554 = arith.addi %select_n3A_553, %select_n3A_511 : vector<1x4096xi32>
    %iota3A_555 = tpu.iota {dimensions = array<i32: 0>} : vector<32x4096xi32>
    %eq3A_556 = vector.broadcast %add3A_554 : vector<1x4096xi32> to vector<32x4096xi32>
    %eq3A_557 = arith.cmpi eq, %iota3A_555, %eq3A_556 : vector<32x4096xi32>
    %convert_element_type3A_558 = arith.extui %eq3A_557 : vector<32x4096xi1> to vector<32x4096xi32>
    %convert_element_type3A_559 = arith.sitofp %convert_element_type3A_558 : vector<32x4096xi32> to vector<32x4096xf32>
    %get3A_560 = arith.constant 0 : index
    %get3A_561 = arith.constant 0 : index
    %get3A_562 = vector.load %arg0[%get3A_560, %get3A_561] : memref<16x32xf32, #tpu.memory_space<vmem>>, vector<16x32xf32>
    %dot_general3A_563 = arith.constant dense<0.000000e+00> : vector<16x4096xf32>
    %dot_general3A_564 = tpu.matmul %get3A_562, %convert_element_type3A_559, %dot_general3A_563 {dimension_numbers = #tpu.dot_dimension_numbers<[1], [0], [0], [1], [0, 0, 1, 1], [], []>, precision = #tpu.contract_precision<fp32>, transpose_lhs_hint = false} : vector<16x32xf32>, vector<32x4096xf32>, vector<16x4096xf32> -> vector<16x4096xf32>
    %swap3A_565 = arith.constant 0 : index
    %swap3A_566 = arith.constant 7 : index
    %swap3A_567 = arith.constant 0 : index
    %swap3A_568 = vector.load %arg1[%swap3A_565, %swap3A_566, %swap3A_567] : memref<16x8x4096xf32, #tpu.memory_space<vmem>>, vector<16x1x4096xf32>
    %swap3A_569 = vector.shape_cast %swap3A_568 : vector<16x1x4096xf32> to vector<16x4096xf32>
    %swap3A_570 = vector.shape_cast %dot_general3A_564 : vector<16x4096xf32> to vector<16x1x4096xf32>
    tpu.vector_store %arg1[%swap3A_565, %swap3A_566, %swap3A_567], %swap3A_570 {strides = array<i32>} : memref<16x8x4096xf32, #tpu.memory_space<vmem>>, vector<16x1x4096xf32>,
    return
  }
}

</mosaic_0001>

<sc_bundles>
// kernel: kernel.4.cloned.1.call-start
scs
__scs_entry_jumppad:
0x0: {  	(pc) =	sbr.rel $0x88, $3  }
0x1: {  	(tag) =	ssettag $0x0;
	lr =	simm.s32 $0x1  }
0x2: {  	[smem:$0x3FA0] =	sst lr;
	_ =	strace $0xD0000000  }
0x3: {  	_ = 	snop  }
0x4: {  	_ = 	snop  }
0x5: {  	_ = 	snop  }
0x6: {  	_ = 	snop  }
0x7: {  	_ = 	snop  }
__scs_overlays_trampoline_lowered:
0x8: {  	[smem:$0x3FAF] =	sst s0  }
0x9: {  	[smem:$0x3FB0] =	sst s1  }
0xa: {  	[smem:$0x3FB1] =	sst s2  }
0xb: {  	[smem:$0x3FB2] =	sst s3  }
0xc: {  	[smem:$0x3FB3] =	sst s4  }
0xd: {  	[smem:$0x3FB4] =	sst s5  }
0xe: {  	[smem:$0x3FB5] =	sst s6  }
0xf: {  	[smem:$0x3FB6] =	sst s7  }
0x10: {  	[smem:$0x3FB7] =	sst s8  }
0x11: {  	[smem:$0x3FB8] =	sst s9;
	s0 =	simm.s32 @!p0 $0x0  }
0x12: {  	s1 =	sld [smem:$0x3F9E];
	s0 =	simm.s32 @p0 $0x1  }
0x13: {  	[smem:$0x3FB9] =	sst s0;
	s0 =	simm.s32 @!p1 $0x0  }
0x14: {  	s2 =	sld [smem:$0x3F9D];
	s0 =	simm.s32 @p1 $0x1  }
0x15: {  	[smem:$0x3FBA] =	sst s0;
	s0 =	simm.s32 @!p2 $0x0  }
0x16: {  	s3 =	sld [smem:$0x3FDB];
	s0 =	simm.s32 @p2 $0x1  }
0x17: {  	s4 =	simm.s32 $0x1BF5;
	[smem:$0x3FBC] =	sst s0  }
0x18: {  	s0 =	sld [smem:$0x3F9F];
	_ =	swait.ge [sflag:s4], $0x0  }
0x19: {  	s7 =	sld [smem:$0x3FA0]  }
0x1a: {  	s8 =	sadd.s32 $0xFFFFE003, lr  }
0x1b: {  	s9 =	sadd.s32 $0xFFFFFEF7, lr;
	s5 =	simm.s32 $0xFFFFFFFF;
	p2 =	slt.u32 s8, $0xFFFFF086  }
0x1c: {  	p1 =	slt.u32 s9, $0xF7A;
	s5 =	simm.s32 @!p2 $0x0  }
0x1d: {  	s5 =	simm.s32 @p1 $0x1;
	p0 =	seq.s32 s7, s2  }
0x1e: {  	s7 =	smul.u32 @!p0 $0xF7A, s2;
	p2 =	seq.s32 @!p0 s5, $0x0  }
0x1f: {  	s9 =	smul.u32 $0xF7A, s1;
	s8 =	simm.s32 @!p0 $0x1BF5;
	p2 =	por !p2, p0  }
0x20: {  	[sflag:s8] =	ssyncset.s32 @!p0 $0xFFFFF086;
	s6 =	sadd.s32 @!p0 s3, s7;
	s7 =	simm.s32 @!p0 $0x108  }
0x21: {  	s3 =	sadd.s32 s3, s9;
	s6 =	sadd.s32 @!p0 $0x88, s6;
	s7 =	simm.s32 @p2 $0x1082  }
0x22: {  	[simem:s7], [sflag:s8] =	dma.local @!p0 [hbm:s6], $0xF7A  }
0x23: {  	s9 =	sor.u32 $0xD0000000, s2;
	s6 =	simm.s32 $0x108;
	_ =	swait.ge @!p0 [sflag:s8], $0x0  }
0x24: {  	s3 =	sadd.s32 $0x88, s3;
	s6 =	simm.s32 @!p1 $0x1082;
	[sflag:s4] =	ssyncset.s32 $0xFFFFF086  }
0x25: {  	[simem:s6], [sflag:s4] =	dma.local [hbm:s3], $0xF7A  }
0x26: {  	[smem:$0x3FA0] =	sst s1;
	(tag) =	ssettag s2;
	_ =	strace s9  }
0x27: {  	s1 =	sld [smem:$0x3FB0]  }
0x28: {  	s2 =	sld [smem:$0x3FB1]  }
0x29: {  	s4 =	sld [smem:$0x3FB3]  }
0x2a: {  	p0 =	seq.s32 s5, $0x0;
	s5 =	sld [smem:$0x3FB4]  }
0x2b: {  	s6 =	sld [smem:$0x3FB5]  }
0x2c: {  	s7 =	sld [smem:$0x3FB6]  }
0x2d: {  	s3 =	simm.s32 $0x108;
	s8 =	sld [smem:$0x3FB7]  }
0x2e: {  	s3 =	simm.s32 @!p0 $0x1082;
	s9 =	sld [smem:$0x3FB8]  }
0x2f: {  	lr =	sadd.s32 s0, s3;
	s0 =	sld [smem:$0x3FAF]  }
0x30: {  	s3 =	sld [smem:$0x3FB2]  }
0x31: {  	[smem:$0x3FBB] =	sst s10  }
0x32: {  	s10 =	sld [smem:$0x3FB9];
	_ =	sdelay $0x3  }
0x33: {  	p0 =	seq.s32 s10, $0x1;
	s10 =	sld [smem:$0x3FBB];
	_ =	sdelay $0x3  }
0x34: {  	[smem:$0x3FBB] =	sst s10  }
0x35: {  	s10 =	sld [smem:$0x3FBA];
	_ =	sdelay $0x3  }
0x36: {  	p1 =	seq.s32 s10, $0x1;
	s10 =	sld [smem:$0x3FBB];
	_ =	sdelay $0x3  }
0x37: {  	[smem:$0x3FBB] =	sst s10  }
0x38: {  	s10 =	sld [smem:$0x3FBC]  }
0x39: {  	_ = 	snop;
	(pc) =	sbr.ind lr, $3  }
0x3a: {  	_ = 	snop  }
0x3b: {  	_ = 	snop  }
0x3c: {  	p2 =	seq.s32 s10, $0x1;
	s10 =	sld [smem:$0x3FBB]  }
0x3d: {  	_ =	shalt  }
0x3e: {  	_ =	shalt  }
0x3f: {  	_ =	shalt  }
0x40: {  	_ =	shalt  }
0x41: {  	_ =	shalt  }
0x42: {  	_ =	shalt  }
0x43: {  	_ =	shalt  }
0x44: {  	_ =	shalt  }
0x45: {  	_ =	shalt  }
0x46: {  	_ =	shalt  }
0x47: {  	_ =	shalt  }
0x48: {  	_ =	shalt  }
0x49: {  	_ =	shalt  }
0x4a: {  	_ =	shalt  }
0x4b: {  	_ =	shalt  }
0x4c: {  	_ =	shalt  }
0x4d: {  	_ =	shalt  }
0x4e: {  	_ =	shalt  }
0x4f: {  	_ =	shalt  }
0x50: {  	_ =	shalt  }
0x51: {  	_ =	shalt  }
0x52: {  	_ =	shalt  }
0x53: {  	_ =	shalt  }
0x54: {  	_ =	shalt  }
0x55: {  	_ =	shalt  }
0x56: {  	_ =	shalt  }
0x57: {  	_ =	shalt  }
0x58: {  	_ =	shalt  }
0x59: {  	_ =	shalt  }
0x5a: {  	_ =	shalt  }
0x5b: {  	_ =	shalt  }
0x5c: {  	_ =	shalt  }
0x5d: {  	_ =	shalt  }
0x5e: {  	_ =	shalt  }
0x5f: {  	_ =	shalt  }
0x60: {  	_ =	shalt  }
0x61: {  	_ =	shalt  }
0x62: {  	_ =	shalt  }
0x63: {  	_ =	shalt  }
0x64: {  	_ =	shalt  }
0x65: {  	_ =	shalt  }
0x66: {  	_ =	shalt  }
0x67: {  	_ =	shalt  }
0x68: {  	_ =	shalt  }
0x69: {  	_ =	shalt  }
0x6a: {  	_ =	shalt  }
0x6b: {  	_ =	shalt  }
0x6c: {  	_ =	shalt  }
0x6d: {  	_ =	shalt  }
0x6e: {  	_ =	shalt  }
0x6f: {  	_ =	shalt  }
0x70: {  	_ =	shalt  }
0x71: {  	_ =	shalt  }
0x72: {  	_ =	shalt  }
0x73: {  	_ =	shalt  }
0x74: {  	_ =	shalt  }
0x75: {  	_ =	shalt  }
0x76: {  	_ =	shalt  }
0x77: {  	_ =	shalt  }
0x78: {  	_ =	shalt  }
0x79: {  	_ =	shalt  }
0x7a: {  	_ =	shalt  }
0x7b: {  	_ =	shalt  }
0x7c: {  	_ =	shalt  }
0x7d: {  	_ =	shalt  }
0x7e: {  	_ =	shalt  }
0x7f: {  	_ =	shalt  }
0x80: {  	_ =	shalt  }
0x81: {  	_ =	shalt  }
0x82: {  	_ =	shalt  }
0x83: {  	_ =	shalt  }
0x84: {  	_ =	shalt  }
0x85: {  	_ =	shalt  }
0x86: {  	_ =	shalt  }
0x87: {  	_ =	shalt  }
.Lfunc_end0:
.L_simem_size_0:
called_computation_lowered:
.L_overlay_start_0:
0x88: {  	s2 =	sld [smem:$0x3FD9]  }
0x89: {  	s3 =	sld [smem:$0x3FFE];
	_ =	sdelay $0x1  }
0x8a: {  	s1 =	srdreg.scid  }
0x8b: {  	s0 =	sand.u32 $0x1, s1  }
0x8c: {  	s17 =	sshll.u32 s0, $0xA;
	s2 =	sadd.s32 s3, s2  }
0x8d: {  	s2 =	sadd.s32 s2, s17  }
0x8e: {  	[smem:$0x3FC7] =	sst s2  }
0x8f: {  	_ = 	snop  }
0x90: {  	s2 =	sld [smem:$0x3FD0];
	(tm) =	ssettm $0x1  }
0x91: {  	s18 =	sld [smem:$0x3FFB];
	_ =	sdelay $0x3  }
0x92: {  	_ =	strace s18  }
0x93: {  	s3 =	sld [smem:$0x3FFC];
	_ =	sdelay $0x3  }
0x94: {  	_ =	strace s3  }
0x95: {  	s3 =	sld [smem:$0x3FFD];
	_ =	sdelay $0x3  }
0x96: {  	_ =	strace s3  }
0x97: {  	_ =	strace $0x8FFFFFFF  }
0x98: {  	s19 =	sld [smem:$0x3FDB];
	_ =	sdelay $0x1  }
0x99: {  	s4 =	simm.s32 $_scs_section_size  }
0x9a: {  	s5 =	simm.s32 $_size__tile_overlayer_lowered;
	s6 =	simm.s32 $_tile_overlayer_lowered  }
0x9b: {  	s22 =	simm.s32 $0x1BFF;
	s21 =	sshll.u32 s6, $0x1;
	s3 =	sadd.s32 s4, s19  }
0x9c: {  	s7 =	simm.s32 $0x0;
	s20 =	sshll.u32 s5, $0x1;
	s5 =	sadd.s32 s21, s3  }
0x9d: {  	[timem:s7], [sflag:s22] =	dma.local [hbm:s5], s20  }
0x9e: {  	_ =	swait.ge [sflag:s22], s20  }
0x9f: {  	s4 =	ssub.s32 $0x0, s20;
	[sflag:s22] =	ssyncset.done $0x0  }
0xa0: {  	[sflag:s22] =	ssyncadd.s32 s4;
	_ =	sdelay $0x1  }
0xa1: {  	s23 =	simm.s32 $0x1B8B  }
0xa2: {  	_ =	swait.ge [sflag:s23], $0x1  }
0xa3: {  	[sflag:s23] =	ssyncset.done $0x0  }
0xa4: {  	s25 =	simm.s32 $0x1B8E;
	s24 =	sld [smem:$0x3FFE];
	[sflag:s23] =	ssyncadd.s32 $0xFFFFFFFF  }
0xa5: {  	s26 =	simm.s32 $execute0_lowered;
	[smem:$0x3FD2] =	sst s25  }
0xa6: {  	s5 =	sshll.u32 s26, $0x1;
	_ =	strace $0x80000046;
	[dreg:$0x1] =	wrdreg $0xFFFFFFFF  }
0xa7: {  	s28 =	simm.s32 $_size_execute0_lowered;
	s3 =	sadd.s32 s3, s5;
	[dreg:$0x0] =	wrdreg $0x0  }
0xa8: {  	s5 =	sshll.u32 s28, $0x1;
	[dreg:$0x2] =	wrdreg s3  }
0xa9: {  	[dreg:$0x3] =	wrdreg s5  }
0xaa: {  	[dreg:$0x4] =	wrdreg $0xC0  }
0xab: {  	_ =	task [dreg:s7], $0x5FFFF  }
0xac: {  	[dreg:$0x1] =	wrdreg $0xFFFFFFFF  }
0xad: {  	[dreg:$0x0] =	wrdreg $0x60  }
0xae: {  	[dreg:$0x2] =	wrdreg s2  }
0xaf: {  	[dreg:$0x3] =	wrdreg s24  }
0xb0: {  	[dreg:$0x4] =	wrdreg $0x9  }
0xb1: {  	_ =	task.clear_ibuf [dreg:s7], $0x5FFFF;
	_ =	strace $0x90000046  }
0xb2: {  	s29 =	simm.s32 $0x9;
	_ =	strace $0x80000048  }
0xb3: {  	_ =	swait.ge [sflag:s29], $0x1  }
0xb4: {  	[sflag:s29] =	ssyncadd.s32 $0xFFFFFFFF  }
0xb5: {  	_ =	strace $0x90000048  }
0xb6: {  	_ =	sfence  }
0xb7: {  	s30 =	sld [smem:$0x0];
	_ =	sdelay $0x2  }
0xb8: {  	s31 =	sshll.u32 s1, $0xD;
	s1 =	sshrl.u32 s1, $0x2  }
0xb9: {  	s3 =	sand.u32 $0x4000, s31;
	s1 =	sadd.s32 s1, s30  }
0xba: {  	s0 =	sor.u32 s3, s0;
	s1 =	sshll.u32 s1, $0x11  }
0xbb: {  	s0 =	sor.u32 s1, s0  }
0xbc: {  	s0 =	sadd.s32 $0x8F2B, s0  }
0xbd: {  	[sflag:s0] =	ssyncadd.remote.s32 $0x1  }
0xbe: {  	_ =	sfence.sel $0xFFFF  }
0xbf: {  	[dreg:$0x0] =	wrdreg $0xFFFFFFFF;
	(pc) =	sbr.abs _section_cstart, $3  }
0xc0: {  	[dreg:$0x1] =	wrdreg $0xFFFFFFFF  }
0xc1: {  	_ =	task.clear_ibuf [dreg:s7], $0x2FFFF;
	_ =	strace $0x9FFFFFFF  }
0xc2: {  	(tm) =	ssettm $0x7FFFFFFF  }
0xc3: {  	_ =	shalt  }
tec
execute0_lowered:
.L_overlay_start_1:
0x0: {  	(tag) =	ssettag $0x1  }
0x1: {  	s0 =	stileid.u32  }
0x2: {  	s1 =	srdreg.scid;
	s6 =	smul.u32 $0x60000, s0  }
0x3: {  	s5 =	sand.u32 $0x1, s1;
	s9 =	smul.u32 $0x1800, s0  }
0x4: {  	s4 =	rddreg [dreg:$0x0];
	s7 =	smul.u32 $0x30000, s5  }
0x5: {  	s3 =	rddreg [dreg:$0x1];
	s8 =	smul.u32 $0xC00, s5  }
0x6: {  	s2 =	simm.s32 $0x0;
	s1 =	rddreg [dreg:$0x2]  }
0x7: {  	[smem:$0x7FF] =	sst s2;
	s7 =	sadd.s32 s7, s6;
	s6 =	sadd.s32 s9, s8  }
0x8: {  	_ =	strace $0x80000047;
	[dreg:$0x3] =	wrdreg s7;
	s29 =	ssub.s32 $0x1DF00, s6  }
0x9: {  	s30 =	ssub.s32 $0x19F00, s6;
	[dreg:$0x4] =	wrdreg s29  }
0xa: {  	s31 =	ssub.s32 $0x15F00, s6;
	[dreg:$0x5] =	wrdreg s30  }
0xb: {  	s8 =	ssub.s32 $0x11F00, s6;
	[dreg:$0x6] =	wrdreg s31  }
0xc: {  	s9 =	ssub.s32 $0xDF00, s6;
	[dreg:$0x7] =	wrdreg s8  }
0xd: {  	s10 =	ssub.s32 $0x9F00, s6;
	[dreg:$0x8] =	wrdreg s9  }
0xe: {  	s11 =	ssub.s32 $0x5F00, s6;
	[dreg:$0x9] =	wrdreg s10  }
0xf: {  	s12 =	ssub.s32 $0x1F00, s6;
	[dreg:$0xa] =	wrdreg s11  }
0x10: {  	s13 =	ssub.s32 $0x1DF20, s6;
	[dreg:$0xb] =	wrdreg s12  }
0x11: {  	s14 =	ssub.s32 $0x19F20, s6;
	[dreg:$0xc] =	wrdreg s13  }
0x12: {  	s15 =	ssub.s32 $0x15F20, s6;
	[dreg:$0xd] =	wrdreg s14  }
0x13: {  	s16 =	ssub.s32 $0x11F20, s6;
	[dreg:$0xe] =	wrdreg s15  }
0x14: {  	s17 =	ssub.s32 $0xDF20, s6;
	[dreg:$0xf] =	wrdreg s16  }
0x15: {  	s18 =	ssub.s32 $0x9F20, s6;
	[dreg:$0x10] =	wrdreg s17  }
0x16: {  	s19 =	ssub.s32 $0x5F20, s6;
	[dreg:$0x11] =	wrdreg s18  }
0x17: {  	s20 =	ssub.s32 $0x1F20, s6;
	[dreg:$0x12] =	wrdreg s19  }
0x18: {  	s21 =	ssub.s32 $0x1DF40, s6;
	[dreg:$0x13] =	wrdreg s20  }
0x19: {  	s22 =	ssub.s32 $0x19F40, s6;
	[dreg:$0x14] =	wrdreg s21  }
0x1a: {  	s23 =	ssub.s32 $0x15F40, s6;
	[dreg:$0x15] =	wrdreg s22  }
0x1b: {  	s24 =	ssub.s32 $0x11F40, s6;
	[dreg:$0x16] =	wrdreg s23  }
0x1c: {  	s25 =	ssub.s32 $0xDF40, s6;
	[dreg:$0x17] =	wrdreg s24  }
0x1d: {  	s26 =	ssub.s32 $0x9F40, s6;
	[dreg:$0x18] =	wrdreg s25  }
0x1e: {  	s28 =	ssub.s32 $0x5F40, s6;
	[dreg:$0x19] =	wrdreg s26  }
0x1f: {  	[dreg:$0x1a] =	wrdreg s28;
	s29 =	ssub.s32 $0x1F40, s6  }
0x20: {  	s30 =	ssub.s32 $0x1DF60, s6;
	[dreg:$0x1b] =	wrdreg s29  }
0x21: {  	s31 =	ssub.s32 $0x19F60, s6;
	[dreg:$0x1c] =	wrdreg s30  }
0x22: {  	s8 =	ssub.s32 $0x15F60, s6;
	[dreg:$0x1d] =	wrdreg s31  }
0x23: {  	s9 =	ssub.s32 $0x11F60, s6;
	[dreg:$0x1e] =	wrdreg s8  }
0x24: {  	s10 =	ssub.s32 $0xDF60, s6;
	[dreg:$0x1f] =	wrdreg s9  }
0x25: {  	s11 =	ssub.s32 $0x9F60, s6;
	[smem:$0x7D9] =	sst s10  }
0x26: {  	s12 =	ssub.s32 $0x5F60, s6;
	[smem:$0x7DA] =	sst s11  }
0x27: {  	s13 =	ssub.s32 $0x1F60, s6;
	[smem:$0x7DB] =	sst s12  }
0x28: {  	s14 =	ssub.s32 $0x1DF80, s6;
	[smem:$0x7DC] =	sst s13  }
0x29: {  	s15 =	ssub.s32 $0x19F80, s6;
	[smem:$0x7DD] =	sst s14  }
0x2a: {  	s16 =	ssub.s32 $0x15F80, s6;
	[smem:$0x7DE] =	sst s15  }
0x2b: {  	s17 =	ssub.s32 $0x11F80, s6;
	[smem:$0x7DF] =	sst s16  }
0x2c: {  	s18 =	ssub.s32 $0xDF80, s6;
	[smem:$0x7E0] =	sst s17  }
0x2d: {  	s19 =	ssub.s32 $0x9F80, s6;
	[smem:$0x7E1] =	sst s18  }
0x2e: {  	s20 =	ssub.s32 $0x5F80, s6;
	[smem:$0x7E2] =	sst s19  }
0x2f: {  	s21 =	ssub.s32 $0x1F80, s6;
	[smem:$0x7E3] =	sst s20  }
0x30: {  	s22 =	ssub.s32 $0x1DFA0, s6;
	[smem:$0x7E4] =	sst s21  }
0x31: {  	s23 =	ssub.s32 $0x19FA0, s6;
	[smem:$0x7E5] =	sst s22  }
0x32: {  	s24 =	ssub.s32 $0x15FA0, s6;
	[smem:$0x7E6] =	sst s23  }
0x33: {  	s25 =	ssub.s32 $0x11FA0, s6;
	[smem:$0x7E7] =	sst s24  }
0x34: {  	s26 =	ssub.s32 $0xDFA0, s6;
	[smem:$0x7E8] =	sst s25  }
0x35: {  	s28 =	ssub.s32 $0x9FA0, s6;
	[smem:$0x7E9] =	sst s26  }
0x36: {  	[smem:$0x7EA] =	sst s28;
	s29 =	ssub.s32 $0x5FA0, s6  }
0x37: {  	s30 =	ssub.s32 $0x1FA0, s6;
	[smem:$0x7EB] =	sst s29  }
0x38: {  	s31 =	ssub.s32 $0x1DFC0, s6;
	[smem:$0x7EC] =	sst s30  }
0x39: {  	s8 =	ssub.s32 $0x19FC0, s6;
	[smem:$0x7ED] =	sst s31  }
0x3a: {  	s12 =	ssub.s32 $0x15FC0, s6;
	[smem:$0x7EE] =	sst s8  }
0x3b: {  	s14 =	ssub.s32 $0x11FC0, s6;
	[smem:$0x7EF] =	sst s12  }
0x3c: {  	s15 =	ssub.s32 $0xDFC0, s6;
	[smem:$0x7F0] =	sst s14  }
0x3d: {  	s3 =	sadd.s32 $0x400, s3;
	s16 =	ssub.s32 $0x9FC0, s6;
	[smem:$0x7F1] =	sst s15  }
0x3e: {  	s9 =	ssub.s32 $0x2, s5;
	s17 =	ssub.s32 $0x5FC0, s6;
	[smem:$0x7F2] =	sst s16  }
0x3f: {  	s10 =	sshll.u32 s0, $0x1;
	s20 =	ssub.s32 $0x1FC0, s6;
	[smem:$0x7F3] =	sst s17  }
0x40: {  	s11 =	smul.u32 $0x300000, s0;
	s21 =	ssub.s32 $0x1DFE0, s6;
	[smem:$0x7F4] =	sst s20  }
0x41: {  	s22 =	smul.u32 $0xC0, s0;
	s23 =	ssub.s32 $0x19FE0, s6;
	[smem:$0x7F6] =	sst s21  }
0x42: {  	s24 =	ssub.s32 $0x15FE0, s6;
	s25 =	ssub.s32 $0x11FE0, s6;
	[smem:$0x7F7] =	sst s23  }
0x43: {  	s26 =	ssub.s32 $0xDFE0, s6;
	s13 =	sshrl.u32 s9, $0x1;
	[smem:$0x7F8] =	sst s24  }
0x44: {  	s12 =	smul.u32 $0x180000, s5;
	s18 =	sor.u32 s5, s10;
	[smem:$0x7F9] =	sst s25  }
0x45: {  	s5 =	smul.u32 $0x60, s5;
	[smem:$0x7FA] =	sst s26;
	s29 =	ssub.s32 $0x9FE0, s6  }
0x46: {  	s30 =	ssub.s32 $0x5FE0, s6;
	s31 =	ssub.s32 $0x1FE0, s6;
	s10 =	simm.s32 $0x0  }
0x47: {  	s8 =	ssub.s32 s9, s13;
	s7 =	smul.u32 $0x600, s18;
	[smem:$0x7FB] =	sst s29  }
0x48: {  	[smem:$0x7FC] =	sst s30;
	s19 =	sadd.s32 s12, s11;
	s5 =	sadd.s32 s5, s22  }
0x49: {  	[smem:$0x7FD] =	sst s31;
	s9 =	sshrl.u32 s19, $0x3;
	s28 =	sshll.u32 s5, $0x9  }
0x4a: {  	s6 =	smax.u32 s8, $0x1;
	[smem:$0x7F5] =	sst s9;
	s9 =	sand.u32 $0x3E0000, s28  }
0x4b: {  	s8 =	simm.s32 $0x2;
	s7 =	sand.u32 $0xF000, s7;
	s9 =	ssub.s32 $0x0, s9  }
0x4c: {  	s4 =	sadd.s32 s4, s7;
	s7 =	sshra.s32 s9, $0x2;
	s9 =	simm.s32 $0x1  }
.LBB2_1:
0x4d: {  	[tilespmem:s2], [sflag:$0x2] =	stream.linear.gather [hbm4b:s4+s2], $0x10000, $0x38;
	[tilespmem:$0x10000] =	vst v63  }
0x4e: {  	_ =	swait.ge [sflag:s8], $0x10000  }
0x4f: {  	s11 =	smov.u32 s3;
	[sflag:s8] =	ssyncset.done $0x0  }
0x50: {  	s12 =	smov.u32 s5;
	s13 =	simm.s32 $0x0;
	[sflag:s8] =	ssyncadd.s32 $0xFFFF0000  }
.LBB2_2:
0x51: {  	s15 =	sld [smem:$0x7FD]  }
0x52: {  	s14 =	sshrl.u32 s12, $0x8;
	s16 =	sld [smem:$0x7FC]  }
0x53: {  	s17 =	sld [smem:$0x7F5];
	s14 =	smul.u32 $0x22000, s14  }
0x54: {  	s18 =	sld [smem:$0x7FB]  }
0x55: {  	s30 =	sld [smem:$0x7FA];
	s15 =	sadd.s32 s14, s15  }
0x56: {  	s19 =	sld [smem:$0x7F9];
	s15 =	sadd.s32 s15, s13  }
0x57: {  	s21 =	sld [smem:$0x7F8];
	s16 =	sadd.s32 s14, s16;
	s15 =	sshra.s32 s15, $0x2  }
0x58: {  	s17 =	sadd.s32 s11, s17;
	s25 =	sadd.s32 s16, s13;
	s15 =	sadd.s32 s15, s7  }
0x59: {  	[hbm4b:s17+s2] =	stream.linear.scatter [tilespmem:s15], [sflag:$0x1], $0x800, $0x38;
	[tilespmem:$0x10000] =	vst v63  }
0x5a: {  	s23 =	sld [smem:$0x7F7];
	s26 =	sadd.s32 s14, s18;
	s15 =	sshra.s32 s25, $0x2  }
0x5b: {  	s28 =	sadd.s32 $0x100, s17;
	s29 =	sadd.s32 s26, s13;
	s15 =	sadd.s32 s15, s7  }
0x5c: {  	[hbm4b:s28+s2] =	stream.linear.scatter [tilespmem:s15], [sflag:$0x1], $0x800, $0x38;
	[tilespmem:$0x10000] =	vst v63  }
0x5d: {  	s31 =	sadd.s32 $0x200, s17;
	s16 =	sadd.s32 s14, s30;
	s15 =	sshra.s32 s29, $0x2  }
0x5e: {  	s20 =	sadd.s32 $0x300, s17;
	s16 =	sadd.s32 s16, s13;
	s15 =	sadd.s32 s15, s7  }
0x5f: {  	[hbm4b:s31+s2] =	stream.linear.scatter [tilespmem:s15], [sflag:$0x1], $0x800, $0x38;
	[tilespmem:$0x10000] =	vst v63  }
0x60: {  	s22 =	sadd.s32 $0x400, s17;
	s16 =	sshra.s32 s16, $0x2;
	s15 =	sadd.s32 s14, s19  }
0x61: {  	s24 =	sadd.s32 $0x500, s17;
	s16 =	sadd.s32 s16, s7;
	s15 =	sadd.s32 s15, s13  }
0x62: {  	[hbm4b:s20+s2] =	stream.linear.scatter [tilespmem:s16], [sflag:$0x1], $0x800, $0x38;
	[tilespmem:$0x10000] =	vst v63  }
0x63: {  	s26 =	sadd.s32 $0x600, s17;
	s15 =	sshra.s32 s15, $0x2;
	s16 =	sadd.s32 s14, s21  }
0x64: {  	s25 =	sld [smem:$0x7F6];
	s15 =	sadd.s32 s15, s7;
	s16 =	sadd.s32 s16, s13  }
0x65: {  	[hbm4b:s22+s2] =	stream.linear.scatter [tilespmem:s15], [sflag:$0x1], $0x800, $0x38;
	[tilespmem:$0x10000] =	vst v63  }
0x66: {  	s17 =	sadd.s32 $0x700, s17;
	s16 =	sshra.s32 s16, $0x2;
	s15 =	sadd.s32 s14, s23  }
0x67: {  	s28 =	sld [smem:$0x7F4];
	s16 =	sadd.s32 s16, s7;
	s15 =	sadd.s32 s15, s13  }
0x68: {  	[hbm4b:s24+s2] =	stream.linear.scatter [tilespmem:s16], [sflag:$0x1], $0x800, $0x38;
	[tilespmem:$0x10000] =	vst v63  }
0x69: {  	s29 =	rddreg [dreg:$0x3];
	s15 =	sshra.s32 s15, $0x2;
	s16 =	sadd.s32 s14, s25  }
0x6a: {  	s31 =	sld [smem:$0x7F3];
	s15 =	sadd.s32 s15, s7;
	s16 =	sadd.s32 s16, s13  }
0x6b: {  	[hbm4b:s26+s2] =	stream.linear.scatter [tilespmem:s15], [sflag:$0x1], $0x800, $0x38;
	[tilespmem:$0x10000] =	vst v63  }
0x6c: {  	s19 =	sld [smem:$0x7F2];
	s15 =	sadd.s32 s14, s28;
	s16 =	sshra.s32 s16, $0x2  }
0x6d: {  	s21 =	sld [smem:$0x7F1];
	s16 =	sadd.s32 s16, s7;
	s30 =	sadd.s32 s15, s13  }
0x6e: {  	[hbm4b:s17+s2] =	stream.linear.scatter [tilespmem:s16], [sflag:$0x1], $0x800, $0x38;
	[tilespmem:$0x10000] =	vst v63  }
0x6f: {  	s15 =	sadd.s32 s11, s29;
	s16 =	sshra.s32 s30, $0x2;
	s17 =	sadd.s32 s14, s31  }
0x70: {  	s18 =	sadd.s32 $0x800, s15;
	s16 =	sadd.s32 s16, s7;
	s17 =	sadd.s32 s17, s13  }
0x71: {  	[hbm4b:s18+s2] =	stream.linear.scatter [tilespmem:s16], [sflag:$0x1], $0x800, $0x38;
	[tilespmem:$0x10000] =	vst v63  }
0x72: {  	s23 =	sld [smem:$0x7F0];
	s17 =	sshra.s32 s17, $0x2;
	s16 =	sadd.s32 s14, s19  }
0x73: {  	s20 =	sadd.s32 $0x900, s15;
	s17 =	sadd.s32 s17, s7;
	s16 =	sadd.s32 s16, s13  }
0x74: {  	[hbm4b:s20+s2] =	stream.linear.scatter [tilespmem:s17], [sflag:$0x1], $0x800, $0x38;
	[tilespmem:$0x10000] =	vst v63  }
0x75: {  	s25 =	sld [smem:$0x7EF];
	s16 =	sshra.s32 s16, $0x2;
	s17 =	sadd.s32 s14, s21  }
0x76: {  	s22 =	sadd.s32 $0xA00, s15;
	s16 =	sadd.s32 s16, s7;
	s17 =	sadd.s32 s17, s13  }
0x77: {  	[hbm4b:s22+s2] =	stream.linear.scatter [tilespmem:s16], [sflag:$0x1], $0x800, $0x38;
	[tilespmem:$0x10000] =	vst v63  }
0x78: {  	s28 =	sld [smem:$0x7EE];
	s17 =	sshra.s32 s17, $0x2;
	s16 =	sadd.s32 s14, s23  }
0x79: {  	s24 =	sadd.s32 $0xB00, s15;
	s17 =	sadd.s32 s17, s7;
	s16 =	sadd.s32 s16, s13  }
0x7a: {  	[hbm4b:s24+s2] =	stream.linear.scatter [tilespmem:s17], [sflag:$0x1], $0x800, $0x38;
	[tilespmem:$0x10000] =	vst v63  }
0x7b: {  	s26 =	sadd.s32 $0xC00, s15;
	s16 =	sshra.s32 s16, $0x2;
	s17 =	sadd.s32 s14, s25  }
0x7c: {  	s29 =	sadd.s32 $0xD00, s15;
	s16 =	sadd.s32 s16, s7;
	s17 =	sadd.s32 s17, s13  }
0x7d: {  	[hbm4b:s26+s2] =	stream.linear.scatter [tilespmem:s16], [sflag:$0x1], $0x800, $0x38;
	[tilespmem:$0x10000] =	vst v63  }
0x7e: {  	s30 =	sld [smem:$0x7ED];
	s17 =	sshra.s32 s17, $0x2;
	s16 =	sadd.s32 s14, s28  }
0x7f: {  	s31 =	sadd.s32 $0xE00, s15;
	s17 =	sadd.s32 s17, s7;
	s16 =	sadd.s32 s16, s13  }
0x80: {  	[hbm4b:s29+s2] =	stream.linear.scatter [tilespmem:s17], [sflag:$0x1], $0x800, $0x38;
	[tilespmem:$0x10000] =	vst v63  }
0x81: {  	s19 =	sld [smem:$0x7EC];
	s16 =	sshra.s32 s16, $0x2;
	s17 =	sadd.s32 s14, s30  }
0x82: {  	s20 =	sadd.s32 $0xF00, s15;
	s16 =	sadd.s32 s16, s7;
	s17 =	sadd.s32 s17, s13  }
0x83: {  	[hbm4b:s31+s2] =	stream.linear.scatter [tilespmem:s16], [sflag:$0x1], $0x800, $0x38;
	[tilespmem:$0x10000] =	vst v63  }
0x84: {  	s21 =	sld [smem:$0x7EB];
	s17 =	sshra.s32 s17, $0x2;
	s16 =	sadd.s32 s14, s19  }
0x85: {  	s22 =	sadd.s32 $0x1000, s15;
	s17 =	sadd.s32 s17, s7;
	s16 =	sadd.s32 s16, s13  }
0x86: {  	[hbm4b:s20+s2] =	stream.linear.scatter [tilespmem:s17], [sflag:$0x1], $0x800, $0x38;
	[tilespmem:$0x10000] =	vst v63  }
0x87: {  	s23 =	sld [smem:$0x7EA];
	s16 =	sshra.s32 s16, $0x2;
	s17 =	sadd.s32 s14, s21  }
0x88: {  	s24 =	sadd.s32 $0x1100, s15;
	s16 =	sadd.s32 s16, s7;
	s17 =	sadd.s32 s17, s13  }
0x89: {  	[hbm4b:s22+s2] =	stream.linear.scatter [tilespmem:s16], [sflag:$0x1], $0x800, $0x38;
	[tilespmem:$0x10000] =	vst v63  }
0x8a: {  	s25 =	sld [smem:$0x7E9];
	s17 =	sshra.s32 s17, $0x2;
	s16 =	sadd.s32 s14, s23  }
0x8b: {  	s26 =	sadd.s32 $0x1200, s15;
	s17 =	sadd.s32 s17, s7;
	s16 =	sadd.s32 s16, s13  }
0x8c: {  	[hbm4b:s24+s2] =	stream.linear.scatter [tilespmem:s17], [sflag:$0x1], $0x800, $0x38;
	[tilespmem:$0x10000] =	vst v63  }
0x8d: {  	s28 =	sld [smem:$0x7E8];
	s16 =	sshra.s32 s16, $0x2;
	s17 =	sadd.s32 s14, s25  }
0x8e: {  	s29 =	sadd.s32 $0x1300, s15;
	s16 =	sadd.s32 s16, s7;
	s17 =	sadd.s32 s17, s13  }
0x8f: {  	[hbm4b:s26+s2] =	stream.linear.scatter [tilespmem:s16], [sflag:$0x1], $0x800, $0x38;
	[tilespmem:$0x10000] =	vst v63  }
0x90: {  	s30 =	sld [smem:$0x7E7];
	s17 =	sshra.s32 s17, $0x2;
	s16 =	sadd.s32 s14, s28  }
0x91: {  	s31 =	sadd.s32 $0x1400, s15;
	s17 =	sadd.s32 s17, s7;
	s16 =	sadd.s32 s16, s13  }
0x92: {  	[hbm4b:s29+s2] =	stream.linear.scatter [tilespmem:s17], [sflag:$0x1], $0x800, $0x38;
	[tilespmem:$0x10000] =	vst v63  }
0x93: {  	s19 =	sld [smem:$0x7E6];
	s16 =	sshra.s32 s16, $0x2;
	s17 =	sadd.s32 s14, s30  }
0x94: {  	s20 =	sadd.s32 $0x1500, s15;
	s16 =	sadd.s32 s16, s7;
	s17 =	sadd.s32 s17, s13  }
0x95: {  	[hbm4b:s31+s2] =	stream.linear.scatter [tilespmem:s16], [sflag:$0x1], $0x800, $0x38;
	[tilespmem:$0x10000] =	vst v63  }
0x96: {  	s21 =	sld [smem:$0x7E5];
	s17 =	sshra.s32 s17, $0x2;
	s16 =	sadd.s32 s14, s19  }
0x97: {  	s22 =	sadd.s32 $0x1600, s15;
	s17 =	sadd.s32 s17, s7;
	s16 =	sadd.s32 s16, s13  }
0x98: {  	[hbm4b:s20+s2] =	stream.linear.scatter [tilespmem:s17], [sflag:$0x1], $0x800, $0x38;
	[tilespmem:$0x10000] =	vst v63  }
0x99: {  	s23 =	sld [smem:$0x7E4];
	s16 =	sshra.s32 s16, $0x2;
	s17 =	sadd.s32 s14, s21  }
0x9a: {  	s24 =	sadd.s32 $0x1700, s15;
	s16 =	sadd.s32 s16, s7;
	s17 =	sadd.s32 s17, s13  }
0x9b: {  	[hbm4b:s22+s2] =	stream.linear.scatter [tilespmem:s16], [sflag:$0x1], $0x800, $0x38;
	[tilespmem:$0x10000] =	vst v63  }
0x9c: {  	s25 =	sld [smem:$0x7E3];
	s17 =	sshra.s32 s17, $0x2;
	s16 =	sadd.s32 s14, s23  }
0x9d: {  	s26 =	sadd.s32 $0x1800, s15;
	s17 =	sadd.s32 s17, s7;
	s16 =	sadd.s32 s16, s13  }
0x9e: {  	[hbm4b:s24+s2] =	stream.linear.scatter [tilespmem:s17], [sflag:$0x1], $0x800, $0x38;
	[tilespmem:$0x10000] =	vst v63  }
0x9f: {  	s28 =	sld [smem:$0x7E2];
	s16 =	sshra.s32 s16, $0x2;
	s17 =	sadd.s32 s14, s25  }
0xa0: {  	s29 =	sadd.s32 $0x1900, s15;
	s16 =	sadd.s32 s16, s7;
	s17 =	sadd.s32 s17, s13  }
0xa1: {  	[hbm4b:s26+s2] =	stream.linear.scatter [tilespmem:s16], [sflag:$0x1], $0x800, $0x38;
	[tilespmem:$0x10000] =	vst v63  }
0xa2: {  	s30 =	sld [smem:$0x7E1];
	s17 =	sshra.s32 s17, $0x2;
	s16 =	sadd.s32 s14, s28  }
0xa3: {  	s31 =	sadd.s32 $0x1A00, s15;
	s17 =	sadd.s32 s17, s7;
	s16 =	sadd.s32 s16, s13  }
0xa4: {  	[hbm4b:s29+s2] =	stream.linear.scatter [tilespmem:s17], [sflag:$0x1], $0x800, $0x38;
	[tilespmem:$0x10000] =	vst v63  }
0xa5: {  	s19 =	sld [smem:$0x7E0];
	s16 =	sshra.s32 s16, $0x2;
	s17 =	sadd.s32 s14, s30  }
0xa6: {  	s20 =	sadd.s32 $0x1B00, s15;
	s16 =	sadd.s32 s16, s7;
	s17 =	sadd.s32 s17, s13  }
0xa7: {  	[hbm4b:s31+s2] =	stream.linear.scatter [tilespmem:s16], [sflag:$0x1], $0x800, $0x38;
	[tilespmem:$0x10000] =	vst v63  }
0xa8: {  	s21 =	sld [smem:$0x7DF];
	s17 =	sshra.s32 s17, $0x2;
	s16 =	sadd.s32 s14, s19  }
0xa9: {  	s22 =	sadd.s32 $0x1C00, s15;
	s17 =	sadd.s32 s17, s7;
	s16 =	sadd.s32 s16, s13  }
0xaa: {  	[hbm4b:s20+s2] =	stream.linear.scatter [tilespmem:s17], [sflag:$0x1], $0x800, $0x38;
	[tilespmem:$0x10000] =	vst v63  }
0xab: {  	s23 =	sld [smem:$0x7DE];
	s16 =	sshra.s32 s16, $0x2;
	s17 =	sadd.s32 s14, s21  }
0xac: {  	s24 =	sadd.s32 $0x1D00, s15;
	s16 =	sadd.s32 s16, s7;
	s17 =	sadd.s32 s17, s13  }
0xad: {  	[hbm4b:s22+s2] =	stream.linear.scatter [tilespmem:s16], [sflag:$0x1], $0x800, $0x38;
	[tilespmem:$0x10000] =	vst v63  }
0xae: {  	s25 =	sld [smem:$0x7DD];
	s17 =	sshra.s32 s17, $0x2;
	s16 =	sadd.s32 s14, s23  }
0xaf: {  	s26 =	sadd.s32 $0x1E00, s15;
	s17 =	sadd.s32 s17, s7;
	s16 =	sadd.s32 s16, s13  }
0xb0: {  	[hbm4b:s24+s2] =	stream.linear.scatter [tilespmem:s17], [sflag:$0x1], $0x800, $0x38;
	[tilespmem:$0x10000] =	vst v63  }
0xb1: {  	s28 =	sld [smem:$0x7DC];
	s16 =	sshra.s32 s16, $0x2;
	s17 =	sadd.s32 s14, s25  }
0xb2: {  	s29 =	sadd.s32 $0x1F00, s15;
	s16 =	sadd.s32 s16, s7;
	s17 =	sadd.s32 s17, s13  }
0xb3: {  	[hbm4b:s26+s2] =	stream.linear.scatter [tilespmem:s16], [sflag:$0x1], $0x800, $0x38;
	[tilespmem:$0x10000] =	vst v63  }
0xb4: {  	s30 =	sld [smem:$0x7DB];
	s17 =	sshra.s32 s17, $0x2;
	s16 =	sadd.s32 s14, s28  }
0xb5: {  	s31 =	sadd.s32 $0x2000, s15;
	s17 =	sadd.s32 s17, s7;
	s16 =	sadd.s32 s16, s13  }
0xb6: {  	[hbm4b:s29+s2] =	stream.linear.scatter [tilespmem:s17], [sflag:$0x1], $0x800, $0x38;
	[tilespmem:$0x10000] =	vst v63  }
0xb7: {  	s19 =	sld [smem:$0x7DA];
	s16 =	sshra.s32 s16, $0x2;
	s17 =	sadd.s32 s14, s30  }
0xb8: {  	s20 =	sadd.s32 $0x2100, s15;
	s16 =	sadd.s32 s16, s7;
	s17 =	sadd.s32 s17, s13  }
0xb9: {  	[hbm4b:s31+s2] =	stream.linear.scatter [tilespmem:s16], [sflag:$0x1], $0x800, $0x38;
	[tilespmem:$0x10000] =	vst v63  }
0xba: {  	s21 =	sld [smem:$0x7D9];
	s17 =	sshra.s32 s17, $0x2;
	s16 =	sadd.s32 s14, s19  }
0xbb: {  	s22 =	sadd.s32 $0x2200, s15;
	s17 =	sadd.s32 s17, s7;
	s16 =	sadd.s32 s16, s13  }
0xbc: {  	[hbm4b:s20+s2] =	stream.linear.scatter [tilespmem:s17], [sflag:$0x1], $0x800, $0x38;
	[tilespmem:$0x10000] =	vst v63  }
0xbd: {  	s23 =	rddreg [dreg:$0x1f];
	s16 =	sshra.s32 s16, $0x2;
	s17 =	sadd.s32 s14, s21  }
0xbe: {  	s24 =	sadd.s32 $0x2300, s15;
	s16 =	sadd.s32 s16, s7;
	s17 =	sadd.s32 s17, s13  }
0xbf: {  	[hbm4b:s22+s2] =	stream.linear.scatter [tilespmem:s16], [sflag:$0x1], $0x800, $0x38;
	[tilespmem:$0x10000] =	vst v63  }
0xc0: {  	s25 =	rddreg [dreg:$0x1e];
	s17 =	sshra.s32 s17, $0x2;
	s16 =	sadd.s32 s14, s23  }
0xc1: {  	s26 =	sadd.s32 $0x2400, s15;
	s17 =	sadd.s32 s17, s7;
	s16 =	sadd.s32 s16, s13  }
0xc2: {  	[hbm4b:s24+s2] =	stream.linear.scatter [tilespmem:s17], [sflag:$0x1], $0x800, $0x38;
	[tilespmem:$0x10000] =	vst v63  }
0xc3: {  	s28 =	rddreg [dreg:$0x1d];
	s16 =	sshra.s32 s16, $0x2;
	s17 =	sadd.s32 s14, s25  }
0xc4: {  	s29 =	sadd.s32 $0x2500, s15;
	s16 =	sadd.s32 s16, s7;
	s17 =	sadd.s32 s17, s13  }
0xc5: {  	[hbm4b:s26+s2] =	stream.linear.scatter [tilespmem:s16], [sflag:$0x1], $0x800, $0x38;
	[tilespmem:$0x10000] =	vst v63  }
0xc6: {  	s30 =	rddreg [dreg:$0x1c];
	s17 =	sshra.s32 s17, $0x2;
	s16 =	sadd.s32 s14, s28  }
0xc7: {  	s31 =	sadd.s32 $0x2600, s15;
	s17 =	sadd.s32 s17, s7;
	s16 =	sadd.s32 s16, s13  }
0xc8: {  	[hbm4b:s29+s2] =	stream.linear.scatter [tilespmem:s17], [sflag:$0x1], $0x800, $0x38;
	[tilespmem:$0x10000] =	vst v63  }
0xc9: {  	s19 =	rddreg [dreg:$0x1b];
	s16 =	sshra.s32 s16, $0x2;
	s17 =	sadd.s32 s14, s30  }
0xca: {  	s20 =	sadd.s32 $0x2700, s15;
	s16 =	sadd.s32 s16, s7;
	s17 =	sadd.s32 s17, s13  }
0xcb: {  	[hbm4b:s31+s2] =	stream.linear.scatter [tilespmem:s16], [sflag:$0x1], $0x800, $0x38;
	[tilespmem:$0x10000] =	vst v63  }
0xcc: {  	s21 =	rddreg [dreg:$0x1a];
	s17 =	sshra.s32 s17, $0x2;
	s16 =	sadd.s32 s14, s19  }
0xcd: {  	s22 =	sadd.s32 $0x2800, s15;
	s17 =	sadd.s32 s17, s7;
	s16 =	sadd.s32 s16, s13  }
0xce: {  	[hbm4b:s20+s2] =	stream.linear.scatter [tilespmem:s17], [sflag:$0x1], $0x800, $0x38;
	[tilespmem:$0x10000] =	vst v63  }
0xcf: {  	s23 =	rddreg [dreg:$0x19];
	s16 =	sshra.s32 s16, $0x2;
	s17 =	sadd.s32 s14, s21  }
0xd0: {  	s24 =	sadd.s32 $0x2900, s15;
	s16 =	sadd.s32 s16, s7;
	s17 =	sadd.s32 s17, s13  }
0xd1: {  	[hbm4b:s22+s2] =	stream.linear.scatter [tilespmem:s16], [sflag:$0x1], $0x800, $0x38;
	[tilespmem:$0x10000] =	vst v63  }
0xd2: {  	s25 =	rddreg [dreg:$0x18];
	s17 =	sshra.s32 s17, $0x2;
	s16 =	sadd.s32 s14, s23  }
0xd3: {  	s26 =	sadd.s32 $0x2A00, s15;
	s17 =	sadd.s32 s17, s7;
	s16 =	sadd.s32 s16, s13  }
0xd4: {  	[hbm4b:s24+s2] =	stream.linear.scatter [tilespmem:s17], [sflag:$0x1], $0x800, $0x38;
	[tilespmem:$0x10000] =	vst v63  }
0xd5: {  	s28 =	rddreg [dreg:$0x17];
	s16 =	sshra.s32 s16, $0x2;
	s17 =	sadd.s32 s14, s25  }
0xd6: {  	s29 =	sadd.s32 $0x2B00, s15;
	s16 =	sadd.s32 s16, s7;
	s17 =	sadd.s32 s17, s13  }
0xd7: {  	[hbm4b:s26+s2] =	stream.linear.scatter [tilespmem:s16], [sflag:$0x1], $0x800, $0x38;
	[tilespmem:$0x10000] =	vst v63  }
0xd8: {  	s30 =	rddreg [dreg:$0x16];
	s17 =	sshra.s32 s17, $0x2;
	s16 =	sadd.s32 s14, s28  }
0xd9: {  	s31 =	sadd.s32 $0x2C00, s15;
	s17 =	sadd.s32 s17, s7;
	s16 =	sadd.s32 s16, s13  }
0xda: {  	[hbm4b:s29+s2] =	stream.linear.scatter [tilespmem:s17], [sflag:$0x1], $0x800, $0x38;
	[tilespmem:$0x10000] =	vst v63  }
0xdb: {  	s19 =	rddreg [dreg:$0x15];
	s16 =	sshra.s32 s16, $0x2;
	s17 =	sadd.s32 s14, s30  }
0xdc: {  	s20 =	sadd.s32 $0x2D00, s15;
	s16 =	sadd.s32 s16, s7;
	s17 =	sadd.s32 s17, s13  }
0xdd: {  	[hbm4b:s31+s2] =	stream.linear.scatter [tilespmem:s16], [sflag:$0x1], $0x800, $0x38;
	[tilespmem:$0x10000] =	vst v63  }
0xde: {  	s21 =	rddreg [dreg:$0x14];
	s17 =	sshra.s32 s17, $0x2;
	s16 =	sadd.s32 s14, s19  }
0xdf: {  	s22 =	sadd.s32 $0x2E00, s15;
	s17 =	sadd.s32 s17, s7;
	s16 =	sadd.s32 s16, s13  }
0xe0: {  	[hbm4b:s20+s2] =	stream.linear.scatter [tilespmem:s17], [sflag:$0x1], $0x800, $0x38;
	[tilespmem:$0x10000] =	vst v63  }
0xe1: {  	s23 =	rddreg [dreg:$0x13];
	s16 =	sshra.s32 s16, $0x2;
	s17 =	sadd.s32 s14, s21  }
0xe2: {  	s24 =	sadd.s32 $0x2F00, s15;
	s16 =	sadd.s32 s16, s7;
	s17 =	sadd.s32 s17, s13  }
0xe3: {  	[hbm4b:s22+s2] =	stream.linear.scatter [tilespmem:s16], [sflag:$0x1], $0x800, $0x38;
	[tilespmem:$0x10000] =	vst v63  }
0xe4: {  	s25 =	rddreg [dreg:$0x12];
	s17 =	sshra.s32 s17, $0x2;
	s16 =	sadd.s32 s14, s23  }
0xe5: {  	s26 =	sadd.s32 $0x3000, s15;
	s17 =	sadd.s32 s17, s7;
	s16 =	sadd.s32 s16, s13  }
0xe6: {  	[hbm4b:s24+s2] =	stream.linear.scatter [tilespmem:s17], [sflag:$0x1], $0x800, $0x38;
	[tilespmem:$0x10000] =	vst v63  }
0xe7: {  	s28 =	rddreg [dreg:$0x11];
	s16 =	sshra.s32 s16, $0x2;
	s17 =	sadd.s32 s14, s25  }
0xe8: {  	s29 =	sadd.s32 $0x3100, s15;
	s16 =	sadd.s32 s16, s7;
	s17 =	sadd.s32 s17, s13  }
0xe9: {  	[hbm4b:s26+s2] =	stream.linear.scatter [tilespmem:s16], [sflag:$0x1], $0x800, $0x38;
	[tilespmem:$0x10000] =	vst v63  }
0xea: {  	s30 =	rddreg [dreg:$0x10];
	s17 =	sshra.s32 s17, $0x2;
	s16 =	sadd.s32 s14, s28  }
0xeb: {  	s31 =	sadd.s32 $0x3200, s15;
	s17 =	sadd.s32 s17, s7;
	s16 =	sadd.s32 s16, s13  }
0xec: {  	[hbm4b:s29+s2] =	stream.linear.scatter [tilespmem:s17], [sflag:$0x1], $0x800, $0x38;
	[tilespmem:$0x10000] =	vst v63  }
0xed: {  	s19 =	rddreg [dreg:$0xf];
	s16 =	sshra.s32 s16, $0x2;
	s17 =	sadd.s32 s14, s30  }
0xee: {  	s20 =	sadd.s32 $0x3300, s15;
	s16 =	sadd.s32 s16, s7;
	s17 =	sadd.s32 s17, s13  }
0xef: {  	[hbm4b:s31+s2] =	stream.linear.scatter [tilespmem:s16], [sflag:$0x1], $0x800, $0x38;
	[tilespmem:$0x10000] =	vst v63  }
0xf0: {  	s21 =	rddreg [dreg:$0xe];
	s17 =	sshra.s32 s17, $0x2;
	s16 =	sadd.s32 s14, s19  }
0xf1: {  	s22 =	sadd.s32 $0x3400, s15;
	s17 =	sadd.s32 s17, s7;
	s16 =	sadd.s32 s16, s13  }
0xf2: {  	[hbm4b:s20+s2] =	stream.linear.scatter [tilespmem:s17], [sflag:$0x1], $0x800, $0x38;
	[tilespmem:$0x10000] =	vst v63  }
0xf3: {  	s23 =	rddreg [dreg:$0xd];
	s16 =	sshra.s32 s16, $0x2;
	s17 =	sadd.s32 s14, s21  }
0xf4: {  	s24 =	sadd.s32 $0x3500, s15;
	s16 =	sadd.s32 s16, s7;
	s17 =	sadd.s32 s17, s13  }
0xf5: {  	[hbm4b:s22+s2] =	stream.linear.scatter [tilespmem:s16], [sflag:$0x1], $0x800, $0x38;
	[tilespmem:$0x10000] =	vst v63  }
0xf6: {  	s25 =	rddreg [dreg:$0xc];
	s17 =	sshra.s32 s17, $0x2;
	s16 =	sadd.s32 s14, s23  }
0xf7: {  	s26 =	sadd.s32 $0x3600, s15;
	s17 =	sadd.s32 s17, s7;
	s16 =	sadd.s32 s16, s13  }
0xf8: {  	[hbm4b:s24+s2] =	stream.linear.scatter [tilespmem:s17], [sflag:$0x1], $0x800, $0x38;
	[tilespmem:$0x10000] =	vst v63  }
0xf9: {  	s28 =	rddreg [dreg:$0xb];
	s16 =	sshra.s32 s16, $0x2;
	s17 =	sadd.s32 s14, s25  }
0xfa: {  	s29 =	sadd.s32 $0x3700, s15;
	s16 =	sadd.s32 s16, s7;
	s17 =	sadd.s32 s17, s13  }
0xfb: {  	[hbm4b:s26+s2] =	stream.linear.scatter [tilespmem:s16], [sflag:$0x1], $0x800, $0x38;
	[tilespmem:$0x10000] =	vst v63  }
0xfc: {  	s30 =	rddreg [dreg:$0xa];
	s17 =	sshra.s32 s17, $0x2;
	s16 =	sadd.s32 s14, s28  }
0xfd: {  	s31 =	sadd.s32 $0x3800, s15;
	s17 =	sadd.s32 s17, s7;
	s16 =	sadd.s32 s16, s13  }
0xfe: {  	[hbm4b:s29+s2] =	stream.linear.scatter [tilespmem:s17], [sflag:$0x1], $0x800, $0x38;
	[tilespmem:$0x10000] =	vst v63  }
0xff: {  	s19 =	rddreg [dreg:$0x9];
	s16 =	sshra.s32 s16, $0x2;
	s17 =	sadd.s32 s14, s30  }
0x100: {  	s20 =	sadd.s32 $0x3900, s15;
	s16 =	sadd.s32 s16, s7;
	s17 =	sadd.s32 s17, s13  }
0x101: {  	[hbm4b:s31+s2] =	stream.linear.scatter [tilespmem:s16], [sflag:$0x1], $0x800, $0x38;
	[tilespmem:$0x10000] =	vst v63  }
0x102: {  	s21 =	rddreg [dreg:$0x8];
	s17 =	sshra.s32 s17, $0x2;
	s16 =	sadd.s32 s14, s19  }
0x103: {  	s22 =	sadd.s32 $0x3A00, s15;
	s17 =	sadd.s32 s17, s7;
	s16 =	sadd.s32 s16, s13  }
0x104: {  	[hbm4b:s20+s2] =	stream.linear.scatter [tilespmem:s17], [sflag:$0x1], $0x800, $0x38;
	[tilespmem:$0x10000] =	vst v63  }
0x105: {  	s23 =	rddreg [dreg:$0x7];
	s16 =	sshra.s32 s16, $0x2;
	s17 =	sadd.s32 s14, s21  }
0x106: {  	s24 =	sadd.s32 $0x3B00, s15;
	s16 =	sadd.s32 s16, s7;
	s17 =	sadd.s32 s17, s13  }
0x107: {  	[hbm4b:s22+s2] =	stream.linear.scatter [tilespmem:s16], [sflag:$0x1], $0x800, $0x38;
	[tilespmem:$0x10000] =	vst v63  }
0x108: {  	s25 =	rddreg [dreg:$0x6];
	s17 =	sshra.s32 s17, $0x2;
	s16 =	sadd.s32 s14, s23  }
0x109: {  	s26 =	sadd.s32 $0x3C00, s15;
	s17 =	sadd.s32 s17, s7;
	s16 =	sadd.s32 s16, s13  }
0x10a: {  	[hbm4b:s24+s2] =	stream.linear.scatter [tilespmem:s17], [sflag:$0x1], $0x800, $0x38;
	[tilespmem:$0x10000] =	vst v63  }
0x10b: {  	s28 =	rddreg [dreg:$0x5];
	s16 =	sshra.s32 s16, $0x2;
	s17 =	sadd.s32 s14, s25  }
0x10c: {  	s29 =	sadd.s32 $0x3D00, s15;
	s16 =	sadd.s32 s16, s7;
	s17 =	sadd.s32 s17, s13  }
0x10d: {  	[hbm4b:s26+s2] =	stream.linear.scatter [tilespmem:s16], [sflag:$0x1], $0x800, $0x38;
	[tilespmem:$0x10000] =	vst v63  }
0x10e: {  	s30 =	rddreg [dreg:$0x4];
	s17 =	sshra.s32 s17, $0x2;
	s16 =	sadd.s32 s14, s28  }
0x10f: {  	s14 =	sadd.s32 s14, s30;
	s17 =	sadd.s32 s17, s7;
	s16 =	sadd.s32 s16, s13  }
0x110: {  	[hbm4b:s29+s2] =	stream.linear.scatter [tilespmem:s17], [sflag:$0x1], $0x800, $0x38;
	[tilespmem:$0x10000] =	vst v63  }
0x111: {  	s14 =	sadd.s32 s14, s13;
	s16 =	sshra.s32 s16, $0x2  }
0x112: {  	s31 =	sadd.s32 $0x3E00, s15;
	s14 =	sshra.s32 s14, $0x2;
	s16 =	sadd.s32 s16, s7  }
0x113: {  	[hbm4b:s31+s2] =	stream.linear.scatter [tilespmem:s16], [sflag:$0x1], $0x800, $0x38;
	[tilespmem:$0x10000] =	vst v63  }
0x114: {  	s15 =	sadd.s32 $0x3F00, s15;
	s14 =	sadd.s32 s14, s7  }
0x115: {  	[hbm4b:s15+s2] =	stream.linear.scatter [tilespmem:s14], [sflag:$0x1], $0x800, $0x38;
	[tilespmem:$0x10000] =	vst v63  }
0x116: {  	_ =	swait.ge [sflag:s9], $0x4000  }
0x117: {  	[sflag:s9] =	ssyncset.done $0x0  }
0x118: {  	[sflag:s9] =	ssyncadd.s32 $0xFFFFC000  }
0x119: {  	_ =	swait.ge [sflag:s9], $0x4000  }
0x11a: {  	[sflag:s9] =	ssyncset.done $0x0  }
0x11b: {  	[sflag:s9] =	ssyncadd.s32 $0xFFFFC000  }
0x11c: {  	_ =	swait.ge [sflag:s9], $0x4000  }
0x11d: {  	[sflag:s9] =	ssyncset.done $0x0  }
0x11e: {  	[sflag:s9] =	ssyncadd.s32 $0xFFFFC000  }
0x11f: {  	_ =	swait.ge [sflag:s9], $0x4000  }
0x120: {  	[sflag:s9] =	ssyncset.done $0x0  }
0x121: {  	[sflag:s9] =	ssyncadd.s32 $0xFFFFC000  }
0x122: {  	_ =	swait.ge [sflag:s9], $0x4000  }
0x123: {  	[sflag:s9] =	ssyncset.done $0x0  }
0x124: {  	[sflag:s9] =	ssyncadd.s32 $0xFFFFC000  }
0x125: {  	_ =	swait.ge [sflag:s9], $0x4000  }
0x126: {  	[sflag:s9] =	ssyncset.done $0x0  }
0x127: {  	[sflag:s9] =	ssyncadd.s32 $0xFFFFC000  }
0x128: {  	p0 =	sne.s32 s13, $0xFFFFF500;
	_ =	swait.ge [sflag:s9], $0x4000  }
.Ltmp0:
0x129: {  	[sflag:s9] =	ssyncset.done $0x0;
	(pc) =	sbr.rel @p0 .LBB2_2-.Ltmp0, $4  }
0x12a: {  	[sflag:s9] =	ssyncadd.s32 $0xFFFFC000  }
0x12b: {  	_ =	swait.ge [sflag:s9], $0x4000  }
0x12c: {  	s12 =	sadd.s32 $0x8, s12;
	[sflag:s9] =	ssyncset.done $0x0  }
0x12d: {  	s11 =	sadd.s32 $0x4000, s11;
	s13 =	sadd.s32 $0xFFFFFF00, s13;
	[sflag:s9] =	ssyncadd.s32 $0xFFFFC000  }
0x12e: {  	s10 =	sadd.s32 $0x1, s10  }
0x12f: {  	p0 =	sne.s32 s10, s6  }
.Ltmp1:
0x130: {  	_ = 	snop;
	(pc) =	sbr.rel @p0 .LBB2_1-.Ltmp1, $1  }
0x131: {  	_ =	sdelay $0x3  }
0x132: {  	_ =	sfence.sel $0x180000  }
0x133: {  	[bflag:$0x0] =	sbarrier.arrive $0xFFFF  }
0x134: {  	p0 =	sne.s32 s0, $0x0;
	_ =	strace $0x90000047  }
0x135: {  	s0 =	sadd.s32 @!p0 $0x100000, s1;
	[bflag:$0x2] =	sbarrier.arrive $0xFFFF  }
0x136: {  	[sflag:s0] =	ssyncadd.tile.s32 @!p0 $0x1;
	_ =	shalt  }
.Lfunc_end2:
_tile_overlayer_lowered:
.L_overlay_start_2:
0x137: {  	(tag) =	ssettag $0x2  }
0x138: {  	s0 =	rddreg [dreg:$0x0];
	s2 =	stileid.u32  }
0x139: {  	s1 =	rddreg [dreg:$0x1];
	p0 =	sne.s32 s2, $0x0  }
0x13a: {  	s3 =	rddreg [dreg:$0x2];
	[bflag:$0x3] =	sbarrier.arrive $0xFFFF;
	s2 =	simm.s32 @!p0 $0x1C02  }
0x13b: {  	[timem:s3], [sflag:s2] =	dma.local @!p0 [hbm:s0], s1  }
0x13c: {  	s0 =	simm.s32 @!p0 $0x2  }
0x13d: {  	_ =	swait.ge @!p0 [sflag:s0], s1  }
0x13e: {  	s1 =	ssub.s32 @!p0 $0x0, s1;
	[sflag:s0] =	ssyncset.done @!p0 $0x0  }
0x13f: {  	[sflag:s0] =	ssyncadd.s32 @!p0 s1  }
0x140: {  	[bflag:$0x3] =	sbarrier.arrive $0xFFFF  }
0x141: {  	_ =	shalt  }

</sc_bundles>
